<compile_context>
chip_gen: v7x
topology: tpu7x:2x2x1
jax: 0.10.2.dev20260603
libtpu: 0.0.44.dev20260713+nightly
codegen_flags: <defaults>
</compile_context>

<pallas_src>
import functools

import jax
import jax.numpy as jnp
from jax import lax
from jax.experimental import pallas as pl
from jax.experimental.pallas import tpu as pltpu
from jax.experimental.pallas import tpu_sc as plsc

_VOCAB = 30522
_EMB_DIM = 768
_NUM_CLASSES = 2
_BATCH = 4096
_SEQ = 50

_NC = 2
_NS = 16
_L = 16
_NW = _NC * _NS
_B_PER_W = _BATCH // _NW
_G = _B_PER_W // _L

_ROW_BLK = 4096
_N_BLKS = (_VOCAB + _ROW_BLK - 1) // _ROW_BLK
_VOCAB_PAD = 30528


def _proj_body(e_ref, w_ref, b_ref, o_ref):
    o_ref[...] = (
        lax.dot_general(
            e_ref[...], w_ref[...],
            (((1,), (1,)), ((), ())),
            preferred_element_type=jnp.float32,
        )
        + b_ref[...]
    )


def _project_table(emb_table, W, b):
    return pl.pallas_call(
        _proj_body,
        grid=(_N_BLKS,),
        in_specs=[
            pl.BlockSpec((_ROW_BLK, _EMB_DIM), lambda i: (i, 0)),
            pl.BlockSpec((_NUM_CLASSES, _EMB_DIM), lambda i: (0, 0)),
            pl.BlockSpec((1, _NUM_CLASSES), lambda i: (0, 0)),
        ],
        out_specs=pl.BlockSpec((_ROW_BLK, _NUM_CLASSES), lambda i: (i, 0)),
        out_shape=jax.ShapeDtypeStruct((_VOCAB_PAD, _NUM_CLASSES), jnp.float32),
        compiler_params=pltpu.CompilerParams(
            dimension_semantics=("parallel",),
        ),
    )(emb_table, W, b.reshape(1, _NUM_CLASSES))


@functools.partial(
    pl.kernel,
    mesh=plsc.VectorSubcoreMesh(core_axis_name="c", subcore_axis_name="s"),
    compiler_params=pltpu.CompilerParams(needs_layout_passes=False),
    out_type=jax.ShapeDtypeStruct((_BATCH * _NUM_CLASSES,), jnp.float32),
    scratch_types=[
        pltpu.VMEM((_VOCAB_PAD * _NUM_CLASSES,), jnp.float32),
        pltpu.VMEM((_B_PER_W * _SEQ,), jnp.int32),
        pltpu.VMEM((_B_PER_W * _NUM_CLASSES,), jnp.float32),
    ],
)
def _pool_kernel(p_hbm, ids_hbm, o_hbm, p_v, ids_v, o_v):
    wid = lax.axis_index("s") * _NC + lax.axis_index("c")
    q_len = (_VOCAB_PAD * _NUM_CLASSES) // 8
    for q in range(8):
        off = lax.rem(wid + q, 8) * q_len
        pltpu.sync_copy(
            p_hbm.at[pl.ds(off, q_len)], p_v.at[pl.ds(off, q_len)]
        )
    pltpu.sync_copy(ids_hbm.at[pl.ds(wid * _B_PER_W * _SEQ, _B_PER_W * _SEQ)], ids_v)

    inv_s = jnp.float32(1.0 / _SEQ)
    lanes = lax.iota(jnp.int32, _L)

    def body(t, accs):
        out = []
        for g in range(_G):
            a0, a1 = accs[g]
            idx = ids_v[pl.ds(pl.multiple_of(t * (_G * _L) + g * _L, _L), _L)]
            idx2 = idx + idx
            a0 = a0 + plsc.load_gather(p_v, [idx2])
            a1 = a1 + plsc.load_gather(p_v, [idx2 + 1])
            out.append((a0, a1))
        return tuple(out)

    zero = jnp.zeros((_L,), jnp.float32)
    accs = lax.fori_loop(0, _SEQ, body, tuple((zero, zero) for _ in range(_G)))

    for g in range(_G):
        a0, a1 = accs[g]
        pos = (lanes + g * _L) * _NUM_CLASSES
        plsc.store_scatter(o_v, [pos], a0 * inv_s)
        plsc.store_scatter(o_v, [pos + 1], a1 * inv_s)

    base = wid * _B_PER_W * _NUM_CLASSES
    pltpu.sync_copy(o_v, o_hbm.at[pl.ds(base, _B_PER_W * _NUM_CLASSES)])


def kernel(input_ids, emb_table, W, b):
    ids = (
        input_ids.astype(jnp.int32)
        .reshape(_NW, _B_PER_W, _SEQ)
        .transpose(0, 2, 1)
        .reshape(-1)
    )
    p = _project_table(emb_table, W, b).reshape(-1)
    out = _pool_kernel(p, ids)
    logits = out.reshape(_BATCH, _NUM_CLASSES)
    return (logits, logits)

# --- scband reference (transcript-rebuilt; emitter-appended) ---
"""Pipeline reference for scband-bo-wclassifier-85194971283597 (READ-ONLY COPY).

The authoritative reference and input builder live on the scoring server;
editing this copy changes nothing except your own understanding.
"""

import jax, jax.numpy as jnp
import numpy as np

VOCAB = 30522
EMB_DIM = 768
NUM_CLASSES = 2
BATCH = 4096
SEQ = 50


def setup_inputs(seed: int = 0) -> dict:
    key = jax.random.key(seed)
    k1, k2, k3 = jax.random.split(key, 3)
    input_ids = jax.random.randint(k1, (BATCH, SEQ), 0, VOCAB, dtype=jnp.int64)
    emb_table = jax.random.normal(k2, (VOCAB, EMB_DIM), dtype=jnp.float32) * 0.02
    W = jax.random.normal(k3, (NUM_CLASSES, EMB_DIM), dtype=jnp.float32) * 0.02
    b = jnp.zeros((NUM_CLASSES,), dtype=jnp.float32)
    return {"input_ids": input_ids, "emb_table": emb_table, "W": W, "b": b}


def reference(input_ids, emb_table, W, b):
    # Embedding lookup: gather rows of the BERT word-embedding table.
    text_embedding = jnp.take(emb_table, input_ids, axis=0)  # [B, S, D]
    # Bag-of-words pooling: mean over sequence dimension.
    text_embedding = text_embedding.mean(axis=1)  # [B, D]
    # Linear classifier head: logits = x @ W.T + b
    logits = text_embedding @ W.T + b  # [B, C]
    return (logits, logits)

if __name__ == "__main__":
    import jax
    _d = setup_inputs()
    print(jax.jit(kernel)(*tuple(_d.values())))

</pallas_src>

<mosaic_0001>
#map = affine_map<(d0, d1) -> (0)>
module attributes {stable_mosaic.version = 14 : i64} {
  func.func @_pool_kernel(%arg0: i32, %arg1: i32, %arg2: memref<61056xf32, #tpu.memory_space<hbm>>, %arg3: memref<204800xi32, #tpu.memory_space<hbm>>, %arg4: memref<8192xf32, #tpu.memory_space<hbm>>, %arg5: memref<61056xf32, #tpu.memory_space<vmem>>, %arg6: memref<6400xi32, #tpu.memory_space<vmem>>, %arg7: memref<256xf32, #tpu.memory_space<vmem>>) attributes {dimension_semantics = [#tpu.dimension_semantics<core_parallel>, #tpu.dimension_semantics<subcore_parallel>], iteration_bounds = array<i64: 2, 16>, scalar_prefetch = 0 : i64, scratch_operands = 3 : i64, tpu.core_type = #tpu.core_type<sc_vector_subcore>, window_params = [{transform_indices = #map}, {transform_indices = #map}, {transform_indices = #map}]} {
    %mul3A = arith.constant 2 : i32
    %mul3A_0 = arith.muli %arg1, %mul3A : i32
    %add3A = arith.addi %mul3A_0, %arg0 : i32
    %add3A_1 = arith.constant 0 : i32
    %add3A_2 = arith.addi %add3A, %add3A_1 : i32
    %rem3A = arith.constant 8 : i32
    %rem3A_3 = arith.remsi %add3A_2, %rem3A : i32
    %mul3A_4 = arith.constant 7632 : i32
    %mul3A_5 = arith.muli %rem3A_3, %mul3A_4 : i32
    "tpu.region"() ({
      %run_scoped3A = tpu.sem_alloc : memref<!tpu.dma_semaphore, #tpu.memory_space<semaphore_mem>>
      %dma_start3A = tpu.memref_slice %arg5[%mul3A_5] : memref<61056xf32, #tpu.memory_space<vmem>> -> memref<7632xf32, #tpu.memory_space<vmem>>
      %dma_start3A_182 = tpu.memref_slice %arg2[%mul3A_5] : memref<61056xf32, #tpu.memory_space<hbm>> -> memref<7632xf32, #tpu.memory_space<hbm>>
      %dma_start3A_183 = tpu.memref_slice %arg5[%mul3A_5] : memref<61056xf32, #tpu.memory_space<vmem>> -> memref<7632xf32, #tpu.memory_space<vmem>>
      %dma_start3A_184 = tpu.memref_slice %arg2[%mul3A_5] : memref<61056xf32, #tpu.memory_space<hbm>> -> memref<7632xf32, #tpu.memory_space<hbm>>
      tpu.enqueue_dma source(%dma_start3A_184 : memref<7632xf32, #tpu.memory_space<hbm>>) target(%dma_start3A_183 : memref<7632xf32, #tpu.memory_space<vmem>>) target_semaphore(%run_scoped3A : memref<!tpu.dma_semaphore, #tpu.memory_space<semaphore_mem>>)
      %dma_wait3A = tpu.memref_slice %arg5[%mul3A_5] : memref<61056xf32, #tpu.memory_space<vmem>> -> memref<7632xf32, #tpu.memory_space<vmem>>
      %dma_wait3A_185 = tpu.memref_slice %arg2[%mul3A_5] : memref<61056xf32, #tpu.memory_space<hbm>> -> memref<7632xf32, #tpu.memory_space<hbm>>
      %dma_wait3A_186 = tpu.memref_slice %arg5[%mul3A_5] : memref<61056xf32, #tpu.memory_space<vmem>> -> memref<7632xf32, #tpu.memory_space<vmem>>
      %dma_wait3A_187 = tpu.memref_slice %arg2[%mul3A_5] : memref<61056xf32, #tpu.memory_space<hbm>> -> memref<7632xf32, #tpu.memory_space<hbm>>
      tpu.wait_dma2 semaphore(%run_scoped3A : memref<!tpu.dma_semaphore, #tpu.memory_space<semaphore_mem>>) src(%dma_wait3A_187 : memref<7632xf32, #tpu.memory_space<hbm>>) dst(%dma_wait3A_186 : memref<7632xf32, #tpu.memory_space<vmem>>)
      tpu.yield
    }) : () -> ()
    %add3A_6 = arith.constant 1 : i32
    %add3A_7 = arith.addi %add3A, %add3A_6 : i32
    %rem3A_8 = arith.constant 8 : i32
    %rem3A_9 = arith.remsi %add3A_7, %rem3A_8 : i32
    %mul3A_10 = arith.constant 7632 : i32
    %mul3A_11 = arith.muli %rem3A_9, %mul3A_10 : i32
    "tpu.region"() ({
      %run_scoped3A = tpu.sem_alloc : memref<!tpu.dma_semaphore, #tpu.memory_space<semaphore_mem>>
      %dma_start3A = tpu.memref_slice %arg5[%mul3A_11] : memref<61056xf32, #tpu.memory_space<vmem>> -> memref<7632xf32, #tpu.memory_space<vmem>>
      %dma_start3A_182 = tpu.memref_slice %arg2[%mul3A_11] : memref<61056xf32, #tpu.memory_space<hbm>> -> memref<7632xf32, #tpu.memory_space<hbm>>
      %dma_start3A_183 = tpu.memref_slice %arg5[%mul3A_11] : memref<61056xf32, #tpu.memory_space<vmem>> -> memref<7632xf32, #tpu.memory_space<vmem>>
      %dma_start3A_184 = tpu.memref_slice %arg2[%mul3A_11] : memref<61056xf32, #tpu.memory_space<hbm>> -> memref<7632xf32, #tpu.memory_space<hbm>>
      tpu.enqueue_dma source(%dma_start3A_184 : memref<7632xf32, #tpu.memory_space<hbm>>) target(%dma_start3A_183 : memref<7632xf32, #tpu.memory_space<vmem>>) target_semaphore(%run_scoped3A : memref<!tpu.dma_semaphore, #tpu.memory_space<semaphore_mem>>)
      %dma_wait3A = tpu.memref_slice %arg5[%mul3A_11] : memref<61056xf32, #tpu.memory_space<vmem>> -> memref<7632xf32, #tpu.memory_space<vmem>>
      %dma_wait3A_185 = tpu.memref_slice %arg2[%mul3A_11] : memref<61056xf32, #tpu.memory_space<hbm>> -> memref<7632xf32, #tpu.memory_space<hbm>>
      %dma_wait3A_186 = tpu.memref_slice %arg5[%mul3A_11] : memref<61056xf32, #tpu.memory_space<vmem>> -> memref<7632xf32, #tpu.memory_space<vmem>>
      %dma_wait3A_187 = tpu.memref_slice %arg2[%mul3A_11] : memref<61056xf32, #tpu.memory_space<hbm>> -> memref<7632xf32, #tpu.memory_space<hbm>>
      tpu.wait_dma2 semaphore(%run_scoped3A : memref<!tpu.dma_semaphore, #tpu.memory_space<semaphore_mem>>) src(%dma_wait3A_187 : memref<7632xf32, #tpu.memory_space<hbm>>) dst(%dma_wait3A_186 : memref<7632xf32, #tpu.memory_space<vmem>>)
      tpu.yield
    }) : () -> ()
    %add3A_12 = arith.constant 2 : i32
    %add3A_13 = arith.addi %add3A, %add3A_12 : i32
    %rem3A_14 = arith.constant 8 : i32
    %rem3A_15 = arith.remsi %add3A_13, %rem3A_14 : i32
    %mul3A_16 = arith.constant 7632 : i32
    %mul3A_17 = arith.muli %rem3A_15, %mul3A_16 : i32
    "tpu.region"() ({
      %run_scoped3A = tpu.sem_alloc : memref<!tpu.dma_semaphore, #tpu.memory_space<semaphore_mem>>
      %dma_start3A = tpu.memref_slice %arg5[%mul3A_17] : memref<61056xf32, #tpu.memory_space<vmem>> -> memref<7632xf32, #tpu.memory_space<vmem>>
      %dma_start3A_182 = tpu.memref_slice %arg2[%mul3A_17] : memref<61056xf32, #tpu.memory_space<hbm>> -> memref<7632xf32, #tpu.memory_space<hbm>>
      %dma_start3A_183 = tpu.memref_slice %arg5[%mul3A_17] : memref<61056xf32, #tpu.memory_space<vmem>> -> memref<7632xf32, #tpu.memory_space<vmem>>
      %dma_start3A_184 = tpu.memref_slice %arg2[%mul3A_17] : memref<61056xf32, #tpu.memory_space<hbm>> -> memref<7632xf32, #tpu.memory_space<hbm>>
      tpu.enqueue_dma source(%dma_start3A_184 : memref<7632xf32, #tpu.memory_space<hbm>>) target(%dma_start3A_183 : memref<7632xf32, #tpu.memory_space<vmem>>) target_semaphore(%run_scoped3A : memref<!tpu.dma_semaphore, #tpu.memory_space<semaphore_mem>>)
      %dma_wait3A = tpu.memref_slice %arg5[%mul3A_17] : memref<61056xf32, #tpu.memory_space<vmem>> -> memref<7632xf32, #tpu.memory_space<vmem>>
      %dma_wait3A_185 = tpu.memref_slice %arg2[%mul3A_17] : memref<61056xf32, #tpu.memory_space<hbm>> -> memref<7632xf32, #tpu.memory_space<hbm>>
      %dma_wait3A_186 = tpu.memref_slice %arg5[%mul3A_17] : memref<61056xf32, #tpu.memory_space<vmem>> -> memref<7632xf32, #tpu.memory_space<vmem>>
      %dma_wait3A_187 = tpu.memref_slice %arg2[%mul3A_17] : memref<61056xf32, #tpu.memory_space<hbm>> -> memref<7632xf32, #tpu.memory_space<hbm>>
      tpu.wait_dma2 semaphore(%run_scoped3A : memref<!tpu.dma_semaphore, #tpu.memory_space<semaphore_mem>>) src(%dma_wait3A_187 : memref<7632xf32, #tpu.memory_space<hbm>>) dst(%dma_wait3A_186 : memref<7632xf32, #tpu.memory_space<vmem>>)
      tpu.yield
    }) : () -> ()
    %add3A_18 = arith.constant 3 : i32
    %add3A_19 = arith.addi %add3A, %add3A_18 : i32
    %rem3A_20 = arith.constant 8 : i32
    %rem3A_21 = arith.remsi %add3A_19, %rem3A_20 : i32
    %mul3A_22 = arith.constant 7632 : i32
    %mul3A_23 = arith.muli %rem3A_21, %mul3A_22 : i32
    "tpu.region"() ({
      %run_scoped3A = tpu.sem_alloc : memref<!tpu.dma_semaphore, #tpu.memory_space<semaphore_mem>>
      %dma_start3A = tpu.memref_slice %arg5[%mul3A_23] : memref<61056xf32, #tpu.memory_space<vmem>> -> memref<7632xf32, #tpu.memory_space<vmem>>
      %dma_start3A_182 = tpu.memref_slice %arg2[%mul3A_23] : memref<61056xf32, #tpu.memory_space<hbm>> -> memref<7632xf32, #tpu.memory_space<hbm>>
      %dma_start3A_183 = tpu.memref_slice %arg5[%mul3A_23] : memref<61056xf32, #tpu.memory_space<vmem>> -> memref<7632xf32, #tpu.memory_space<vmem>>
      %dma_start3A_184 = tpu.memref_slice %arg2[%mul3A_23] : memref<61056xf32, #tpu.memory_space<hbm>> -> memref<7632xf32, #tpu.memory_space<hbm>>
      tpu.enqueue_dma source(%dma_start3A_184 : memref<7632xf32, #tpu.memory_space<hbm>>) target(%dma_start3A_183 : memref<7632xf32, #tpu.memory_space<vmem>>) target_semaphore(%run_scoped3A : memref<!tpu.dma_semaphore, #tpu.memory_space<semaphore_mem>>)
      %dma_wait3A = tpu.memref_slice %arg5[%mul3A_23] : memref<61056xf32, #tpu.memory_space<vmem>> -> memref<7632xf32, #tpu.memory_space<vmem>>
      %dma_wait3A_185 = tpu.memref_slice %arg2[%mul3A_23] : memref<61056xf32, #tpu.memory_space<hbm>> -> memref<7632xf32, #tpu.memory_space<hbm>>
      %dma_wait3A_186 = tpu.memref_slice %arg5[%mul3A_23] : memref<61056xf32, #tpu.memory_space<vmem>> -> memref<7632xf32, #tpu.memory_space<vmem>>
      %dma_wait3A_187 = tpu.memref_slice %arg2[%mul3A_23] : memref<61056xf32, #tpu.memory_space<hbm>> -> memref<7632xf32, #tpu.memory_space<hbm>>
      tpu.wait_dma2 semaphore(%run_scoped3A : memref<!tpu.dma_semaphore, #tpu.memory_space<semaphore_mem>>) src(%dma_wait3A_187 : memref<7632xf32, #tpu.memory_space<hbm>>) dst(%dma_wait3A_186 : memref<7632xf32, #tpu.memory_space<vmem>>)
      tpu.yield
    }) : () -> ()
    %add3A_24 = arith.constant 4 : i32
    %add3A_25 = arith.addi %add3A, %add3A_24 : i32
    %rem3A_26 = arith.constant 8 : i32
    %rem3A_27 = arith.remsi %add3A_25, %rem3A_26 : i32
    %mul3A_28 = arith.constant 7632 : i32
    %mul3A_29 = arith.muli %rem3A_27, %mul3A_28 : i32
    "tpu.region"() ({
      %run_scoped3A = tpu.sem_alloc : memref<!tpu.dma_semaphore, #tpu.memory_space<semaphore_mem>>
      %dma_start3A = tpu.memref_slice %arg5[%mul3A_29] : memref<61056xf32, #tpu.memory_space<vmem>> -> memref<7632xf32, #tpu.memory_space<vmem>>
      %dma_start3A_182 = tpu.memref_slice %arg2[%mul3A_29] : memref<61056xf32, #tpu.memory_space<hbm>> -> memref<7632xf32, #tpu.memory_space<hbm>>
      %dma_start3A_183 = tpu.memref_slice %arg5[%mul3A_29] : memref<61056xf32, #tpu.memory_space<vmem>> -> memref<7632xf32, #tpu.memory_space<vmem>>
      %dma_start3A_184 = tpu.memref_slice %arg2[%mul3A_29] : memref<61056xf32, #tpu.memory_space<hbm>> -> memref<7632xf32, #tpu.memory_space<hbm>>
      tpu.enqueue_dma source(%dma_start3A_184 : memref<7632xf32, #tpu.memory_space<hbm>>) target(%dma_start3A_183 : memref<7632xf32, #tpu.memory_space<vmem>>) target_semaphore(%run_scoped3A : memref<!tpu.dma_semaphore, #tpu.memory_space<semaphore_mem>>)
      %dma_wait3A = tpu.memref_slice %arg5[%mul3A_29] : memref<61056xf32, #tpu.memory_space<vmem>> -> memref<7632xf32, #tpu.memory_space<vmem>>
      %dma_wait3A_185 = tpu.memref_slice %arg2[%mul3A_29] : memref<61056xf32, #tpu.memory_space<hbm>> -> memref<7632xf32, #tpu.memory_space<hbm>>
      %dma_wait3A_186 = tpu.memref_slice %arg5[%mul3A_29] : memref<61056xf32, #tpu.memory_space<vmem>> -> memref<7632xf32, #tpu.memory_space<vmem>>
      %dma_wait3A_187 = tpu.memref_slice %arg2[%mul3A_29] : memref<61056xf32, #tpu.memory_space<hbm>> -> memref<7632xf32, #tpu.memory_space<hbm>>
      tpu.wait_dma2 semaphore(%run_scoped3A : memref<!tpu.dma_semaphore, #tpu.memory_space<semaphore_mem>>) src(%dma_wait3A_187 : memref<7632xf32, #tpu.memory_space<hbm>>) dst(%dma_wait3A_186 : memref<7632xf32, #tpu.memory_space<vmem>>)
      tpu.yield
    }) : () -> ()
    %add3A_30 = arith.constant 5 : i32
    %add3A_31 = arith.addi %add3A, %add3A_30 : i32
    %rem3A_32 = arith.constant 8 : i32
    %rem3A_33 = arith.remsi %add3A_31, %rem3A_32 : i32
    %mul3A_34 = arith.constant 7632 : i32
    %mul3A_35 = arith.muli %rem3A_33, %mul3A_34 : i32
    "tpu.region"() ({
      %run_scoped3A = tpu.sem_alloc : memref<!tpu.dma_semaphore, #tpu.memory_space<semaphore_mem>>
      %dma_start3A = tpu.memref_slice %arg5[%mul3A_35] : memref<61056xf32, #tpu.memory_space<vmem>> -> memref<7632xf32, #tpu.memory_space<vmem>>
      %dma_start3A_182 = tpu.memref_slice %arg2[%mul3A_35] : memref<61056xf32, #tpu.memory_space<hbm>> -> memref<7632xf32, #tpu.memory_space<hbm>>
      %dma_start3A_183 = tpu.memref_slice %arg5[%mul3A_35] : memref<61056xf32, #tpu.memory_space<vmem>> -> memref<7632xf32, #tpu.memory_space<vmem>>
      %dma_start3A_184 = tpu.memref_slice %arg2[%mul3A_35] : memref<61056xf32, #tpu.memory_space<hbm>> -> memref<7632xf32, #tpu.memory_space<hbm>>
      tpu.enqueue_dma source(%dma_start3A_184 : memref<7632xf32, #tpu.memory_space<hbm>>) target(%dma_start3A_183 : memref<7632xf32, #tpu.memory_space<vmem>>) target_semaphore(%run_scoped3A : memref<!tpu.dma_semaphore, #tpu.memory_space<semaphore_mem>>)
      %dma_wait3A = tpu.memref_slice %arg5[%mul3A_35] : memref<61056xf32, #tpu.memory_space<vmem>> -> memref<7632xf32, #tpu.memory_space<vmem>>
      %dma_wait3A_185 = tpu.memref_slice %arg2[%mul3A_35] : memref<61056xf32, #tpu.memory_space<hbm>> -> memref<7632xf32, #tpu.memory_space<hbm>>
      %dma_wait3A_186 = tpu.memref_slice %arg5[%mul3A_35] : memref<61056xf32, #tpu.memory_space<vmem>> -> memref<7632xf32, #tpu.memory_space<vmem>>
      %dma_wait3A_187 = tpu.memref_slice %arg2[%mul3A_35] : memref<61056xf32, #tpu.memory_space<hbm>> -> memref<7632xf32, #tpu.memory_space<hbm>>
      tpu.wait_dma2 semaphore(%run_scoped3A : memref<!tpu.dma_semaphore, #tpu.memory_space<semaphore_mem>>) src(%dma_wait3A_187 : memref<7632xf32, #tpu.memory_space<hbm>>) dst(%dma_wait3A_186 : memref<7632xf32, #tpu.memory_space<vmem>>)
      tpu.yield
    }) : () -> ()
    %add3A_36 = arith.constant 6 : i32
    %add3A_37 = arith.addi %add3A, %add3A_36 : i32
    %rem3A_38 = arith.constant 8 : i32
    %rem3A_39 = arith.remsi %add3A_37, %rem3A_38 : i32
    %mul3A_40 = arith.constant 7632 : i32
    %mul3A_41 = arith.muli %rem3A_39, %mul3A_40 : i32
    "tpu.region"() ({
      %run_scoped3A = tpu.sem_alloc : memref<!tpu.dma_semaphore, #tpu.memory_space<semaphore_mem>>
      %dma_start3A = tpu.memref_slice %arg5[%mul3A_41] : memref<61056xf32, #tpu.memory_space<vmem>> -> memref<7632xf32, #tpu.memory_space<vmem>>
      %dma_start3A_182 = tpu.memref_slice %arg2[%mul3A_41] : memref<61056xf32, #tpu.memory_space<hbm>> -> memref<7632xf32, #tpu.memory_space<hbm>>
      %dma_start3A_183 = tpu.memref_slice %arg5[%mul3A_41] : memref<61056xf32, #tpu.memory_space<vmem>> -> memref<7632xf32, #tpu.memory_space<vmem>>
      %dma_start3A_184 = tpu.memref_slice %arg2[%mul3A_41] : memref<61056xf32, #tpu.memory_space<hbm>> -> memref<7632xf32, #tpu.memory_space<hbm>>
      tpu.enqueue_dma source(%dma_start3A_184 : memref<7632xf32, #tpu.memory_space<hbm>>) target(%dma_start3A_183 : memref<7632xf32, #tpu.memory_space<vmem>>) target_semaphore(%run_scoped3A : memref<!tpu.dma_semaphore, #tpu.memory_space<semaphore_mem>>)
      %dma_wait3A = tpu.memref_slice %arg5[%mul3A_41] : memref<61056xf32, #tpu.memory_space<vmem>> -> memref<7632xf32, #tpu.memory_space<vmem>>
      %dma_wait3A_185 = tpu.memref_slice %arg2[%mul3A_41] : memref<61056xf32, #tpu.memory_space<hbm>> -> memref<7632xf32, #tpu.memory_space<hbm>>
      %dma_wait3A_186 = tpu.memref_slice %arg5[%mul3A_41] : memref<61056xf32, #tpu.memory_space<vmem>> -> memref<7632xf32, #tpu.memory_space<vmem>>
      %dma_wait3A_187 = tpu.memref_slice %arg2[%mul3A_41] : memref<61056xf32, #tpu.memory_space<hbm>> -> memref<7632xf32, #tpu.memory_space<hbm>>
      tpu.wait_dma2 semaphore(%run_scoped3A : memref<!tpu.dma_semaphore, #tpu.memory_space<semaphore_mem>>) src(%dma_wait3A_187 : memref<7632xf32, #tpu.memory_space<hbm>>) dst(%dma_wait3A_186 : memref<7632xf32, #tpu.memory_space<vmem>>)
      tpu.yield
    }) : () -> ()
    %add3A_42 = arith.constant 7 : i32
    %add3A_43 = arith.addi %add3A, %add3A_42 : i32
    %rem3A_44 = arith.constant 8 : i32
    %rem3A_45 = arith.remsi %add3A_43, %rem3A_44 : i32
    %mul3A_46 = arith.constant 7632 : i32
    %mul3A_47 = arith.muli %rem3A_45, %mul3A_46 : i32
    "tpu.region"() ({
      %run_scoped3A = tpu.sem_alloc : memref<!tpu.dma_semaphore, #tpu.memory_space<semaphore_mem>>
      %dma_start3A = tpu.memref_slice %arg5[%mul3A_47] : memref<61056xf32, #tpu.memory_space<vmem>> -> memref<7632xf32, #tpu.memory_space<vmem>>
      %dma_start3A_182 = tpu.memref_slice %arg2[%mul3A_47] : memref<61056xf32, #tpu.memory_space<hbm>> -> memref<7632xf32, #tpu.memory_space<hbm>>
      %dma_start3A_183 = tpu.memref_slice %arg5[%mul3A_47] : memref<61056xf32, #tpu.memory_space<vmem>> -> memref<7632xf32, #tpu.memory_space<vmem>>
      %dma_start3A_184 = tpu.memref_slice %arg2[%mul3A_47] : memref<61056xf32, #tpu.memory_space<hbm>> -> memref<7632xf32, #tpu.memory_space<hbm>>
      tpu.enqueue_dma source(%dma_start3A_184 : memref<7632xf32, #tpu.memory_space<hbm>>) target(%dma_start3A_183 : memref<7632xf32, #tpu.memory_space<vmem>>) target_semaphore(%run_scoped3A : memref<!tpu.dma_semaphore, #tpu.memory_space<semaphore_mem>>)
      %dma_wait3A = tpu.memref_slice %arg5[%mul3A_47] : memref<61056xf32, #tpu.memory_space<vmem>> -> memref<7632xf32, #tpu.memory_space<vmem>>
      %dma_wait3A_185 = tpu.memref_slice %arg2[%mul3A_47] : memref<61056xf32, #tpu.memory_space<hbm>> -> memref<7632xf32, #tpu.memory_space<hbm>>
      %dma_wait3A_186 = tpu.memref_slice %arg5[%mul3A_47] : memref<61056xf32, #tpu.memory_space<vmem>> -> memref<7632xf32, #tpu.memory_space<vmem>>
      %dma_wait3A_187 = tpu.memref_slice %arg2[%mul3A_47] : memref<61056xf32, #tpu.memory_space<hbm>> -> memref<7632xf32, #tpu.memory_space<hbm>>
      tpu.wait_dma2 semaphore(%run_scoped3A : memref<!tpu.dma_semaphore, #tpu.memory_space<semaphore_mem>>) src(%dma_wait3A_187 : memref<7632xf32, #tpu.memory_space<hbm>>) dst(%dma_wait3A_186 : memref<7632xf32, #tpu.memory_space<vmem>>)
      tpu.yield
    }) : () -> ()
    %mul3A_48 = arith.constant 128 : i32
    %mul3A_49 = arith.muli %add3A, %mul3A_48 : i32
    %mul3A_50 = arith.constant 50 : i32
    %mul3A_51 = arith.muli %mul3A_49, %mul3A_50 : i32
    "tpu.region"() ({
      %run_scoped3A = tpu.sem_alloc : memref<!tpu.dma_semaphore, #tpu.memory_space<semaphore_mem>>
      %dma_start3A = tpu.memref_slice %arg3[%mul3A_51] : memref<204800xi32, #tpu.memory_space<hbm>> -> memref<6400xi32, #tpu.memory_space<hbm>>
      %dma_start3A_182 = tpu.memref_slice %arg3[%mul3A_51] : memref<204800xi32, #tpu.memory_space<hbm>> -> memref<6400xi32, #tpu.memory_space<hbm>>
      tpu.enqueue_dma source(%dma_start3A_182 : memref<6400xi32, #tpu.memory_space<hbm>>) target(%arg6 : memref<6400xi32, #tpu.memory_space<vmem>>) target_semaphore(%run_scoped3A : memref<!tpu.dma_semaphore, #tpu.memory_space<semaphore_mem>>)
      %dma_wait3A = tpu.memref_slice %arg3[%mul3A_51] : memref<204800xi32, #tpu.memory_space<hbm>> -> memref<6400xi32, #tpu.memory_space<hbm>>
      %dma_wait3A_183 = tpu.memref_slice %arg3[%mul3A_51] : memref<204800xi32, #tpu.memory_space<hbm>> -> memref<6400xi32, #tpu.memory_space<hbm>>
      tpu.wait_dma2 semaphore(%run_scoped3A : memref<!tpu.dma_semaphore, #tpu.memory_space<semaphore_mem>>) src(%dma_wait3A_183 : memref<6400xi32, #tpu.memory_space<hbm>>) dst(%arg6 : memref<6400xi32, #tpu.memory_space<vmem>>)
      tpu.yield
    }) : () -> ()
    %iota3A = tpu.iota {dimensions = array<i32: 0>} : vector<16xi32>
    %broadcast_in_dim3A = arith.constant 0.000000e+00 : f32
    %broadcast_in_dim3A_52 = vector.broadcast %broadcast_in_dim3A : f32 to vector<16xf32>
    %scan3A = arith.constant 0 : i32
    %scan3A_53 = arith.constant 50 : i32
    %scan3A_54 = arith.addi %scan3A, %scan3A_53 : i32
    %scan3A_55 = arith.constant 1 : i32
    %scan3A_56:16 = scf.for %scan3A_182 = %scan3A to %scan3A_54 step %scan3A_55 iter_args(%scan3A_183 = %broadcast_in_dim3A_52, %scan3A_184 = %broadcast_in_dim3A_52, %scan3A_185 = %broadcast_in_dim3A_52, %scan3A_186 = %broadcast_in_dim3A_52, %scan3A_187 = %broadcast_in_dim3A_52, %scan3A_188 = %broadcast_in_dim3A_52, %scan3A_189 = %broadcast_in_dim3A_52, %scan3A_190 = %broadcast_in_dim3A_52, %scan3A_191 = %broadcast_in_dim3A_52, %scan3A_192 = %broadcast_in_dim3A_52, %scan3A_193 = %broadcast_in_dim3A_52, %scan3A_194 = %broadcast_in_dim3A_52, %scan3A_195 = %broadcast_in_dim3A_52, %scan3A_196 = %broadcast_in_dim3A_52, %scan3A_197 = %broadcast_in_dim3A_52, %scan3A_198 = %broadcast_in_dim3A_52) -> (vector<16xf32>, vector<16xf32>, vector<16xf32>, vector<16xf32>, vector<16xf32>, vector<16xf32>, vector<16xf32>, vector<16xf32>, vector<16xf32>, vector<16xf32>, vector<16xf32>, vector<16xf32>, vector<16xf32>, vector<16xf32>, vector<16xf32>, vector<16xf32>)  : i32 {
      %mul3A_199 = arith.constant 128 : i32
      %mul3A_200 = arith.muli %scan3A_182, %mul3A_199 : i32
      %add3A_201 = arith.constant 0 : i32
      %add3A_202 = arith.addi %mul3A_200, %add3A_201 : i32
      %multiple_of3A = tpu.assume_multiple %add3A_202, 16 : i32
      %get3A = arith.index_cast %multiple_of3A : i32 to index
      %get3A_203 = tpu.vector_load %arg6[%get3A] {strides = array<i32>} : memref<6400xi32, #tpu.memory_space<vmem>>, vector<16xi32>,
      %add3A_204 = arith.addi %get3A_203, %get3A_203 : vector<16xi32>
      %gather3A = tpu.vector_load_idx %arg5[%add3A_204] : memref<61056xf32, #tpu.memory_space<vmem>>[vector<16xi32>], vector<16xf32>,
      %add3A_205 = arith.addf %scan3A_183, %gather3A : vector<16xf32>
      %add3A_206 = arith.constant 1 : i32
      %add3A_207 = vector.broadcast %add3A_206 : i32 to vector<16xi32>
      %add3A_208 = arith.addi %add3A_204, %add3A_207 : vector<16xi32>
      %gather3A_209 = tpu.vector_load_idx %arg5[%add3A_208] : memref<61056xf32, #tpu.memory_space<vmem>>[vector<16xi32>], vector<16xf32>,
      %add3A_210 = arith.addf %scan3A_184, %gather3A_209 : vector<16xf32>
      %mul3A_211 = arith.constant 128 : i32
      %mul3A_212 = arith.muli %scan3A_182, %mul3A_211 : i32
      %add3A_213 = arith.constant 16 : i32
      %add3A_214 = arith.addi %mul3A_212, %add3A_213 : i32
      %multiple_of3A_215 = tpu.assume_multiple %add3A_214, 16 : i32
      %get3A_216 = arith.index_cast %multiple_of3A_215 : i32 to index
      %get3A_217 = tpu.vector_load %arg6[%get3A_216] {strides = array<i32>} : memref<6400xi32, #tpu.memory_space<vmem>>, vector<16xi32>,
      %add3A_218 = arith.addi %get3A_217, %get3A_217 : vector<16xi32>
      %gather3A_219 = tpu.vector_load_idx %arg5[%add3A_218] : memref<61056xf32, #tpu.memory_space<vmem>>[vector<16xi32>], vector<16xf32>,
      %add3A_220 = arith.addf %scan3A_185, %gather3A_219 : vector<16xf32>
      %add3A_221 = arith.constant 1 : i32
      %add3A_222 = vector.broadcast %add3A_221 : i32 to vector<16xi32>
      %add3A_223 = arith.addi %add3A_218, %add3A_222 : vector<16xi32>
      %gather3A_224 = tpu.vector_load_idx %arg5[%add3A_223] : memref<61056xf32, #tpu.memory_space<vmem>>[vector<16xi32>], vector<16xf32>,
      %add3A_225 = arith.addf %scan3A_186, %gather3A_224 : vector<16xf32>
      %mul3A_226 = arith.constant 128 : i32
      %mul3A_227 = arith.muli %scan3A_182, %mul3A_226 : i32
      %add3A_228 = arith.constant 32 : i32
      %add3A_229 = arith.addi %mul3A_227, %add3A_228 : i32
      %multiple_of3A_230 = tpu.assume_multiple %add3A_229, 16 : i32
      %get3A_231 = arith.index_cast %multiple_of3A_230 : i32 to index
      %get3A_232 = tpu.vector_load %arg6[%get3A_231] {strides = array<i32>} : memref<6400xi32, #tpu.memory_space<vmem>>, vector<16xi32>,
      %add3A_233 = arith.addi %get3A_232, %get3A_232 : vector<16xi32>
      %gather3A_234 = tpu.vector_load_idx %arg5[%add3A_233] : memref<61056xf32, #tpu.memory_space<vmem>>[vector<16xi32>], vector<16xf32>,
      %add3A_235 = arith.addf %scan3A_187, %gather3A_234 : vector<16xf32>
      %add3A_236 = arith.constant 1 : i32
      %add3A_237 = vector.broadcast %add3A_236 : i32 to vector<16xi32>
      %add3A_238 = arith.addi %add3A_233, %add3A_237 : vector<16xi32>
      %gather3A_239 = tpu.vector_load_idx %arg5[%add3A_238] : memref<61056xf32, #tpu.memory_space<vmem>>[vector<16xi32>], vector<16xf32>,
      %add3A_240 = arith.addf %scan3A_188, %gather3A_239 : vector<16xf32>
      %mul3A_241 = arith.constant 128 : i32
      %mul3A_242 = arith.muli %scan3A_182, %mul3A_241 : i32
      %add3A_243 = arith.constant 48 : i32
      %add3A_244 = arith.addi %mul3A_242, %add3A_243 : i32
      %multiple_of3A_245 = tpu.assume_multiple %add3A_244, 16 : i32
      %get3A_246 = arith.index_cast %multiple_of3A_245 : i32 to index
      %get3A_247 = tpu.vector_load %arg6[%get3A_246] {strides = array<i32>} : memref<6400xi32, #tpu.memory_space<vmem>>, vector<16xi32>,
      %add3A_248 = arith.addi %get3A_247, %get3A_247 : vector<16xi32>
      %gather3A_249 = tpu.vector_load_idx %arg5[%add3A_248] : memref<61056xf32, #tpu.memory_space<vmem>>[vector<16xi32>], vector<16xf32>,
      %add3A_250 = arith.addf %scan3A_189, %gather3A_249 : vector<16xf32>
      %add3A_251 = arith.constant 1 : i32
      %add3A_252 = vector.broadcast %add3A_251 : i32 to vector<16xi32>
      %add3A_253 = arith.addi %add3A_248, %add3A_252 : vector<16xi32>
      %gather3A_254 = tpu.vector_load_idx %arg5[%add3A_253] : memref<61056xf32, #tpu.memory_space<vmem>>[vector<16xi32>], vector<16xf32>,
      %add3A_255 = arith.addf %scan3A_190, %gather3A_254 : vector<16xf32>
      %mul3A_256 = arith.constant 128 : i32
      %mul3A_257 = arith.muli %scan3A_182, %mul3A_256 : i32
      %add3A_258 = arith.constant 64 : i32
      %add3A_259 = arith.addi %mul3A_257, %add3A_258 : i32
      %multiple_of3A_260 = tpu.assume_multiple %add3A_259, 16 : i32
      %get3A_261 = arith.index_cast %multiple_of3A_260 : i32 to index
      %get3A_262 = tpu.vector_load %arg6[%get3A_261] {strides = array<i32>} : memref<6400xi32, #tpu.memory_space<vmem>>, vector<16xi32>,
      %add3A_263 = arith.addi %get3A_262, %get3A_262 : vector<16xi32>
      %gather3A_264 = tpu.vector_load_idx %arg5[%add3A_263] : memref<61056xf32, #tpu.memory_space<vmem>>[vector<16xi32>], vector<16xf32>,
      %add3A_265 = arith.addf %scan3A_191, %gather3A_264 : vector<16xf32>
      %add3A_266 = arith.constant 1 : i32
      %add3A_267 = vector.broadcast %add3A_266 : i32 to vector<16xi32>
      %add3A_268 = arith.addi %add3A_263, %add3A_267 : vector<16xi32>
      %gather3A_269 = tpu.vector_load_idx %arg5[%add3A_268] : memref<61056xf32, #tpu.memory_space<vmem>>[vector<16xi32>], vector<16xf32>,
      %add3A_270 = arith.addf %scan3A_192, %gather3A_269 : vector<16xf32>
      %mul3A_271 = arith.constant 128 : i32
      %mul3A_272 = arith.muli %scan3A_182, %mul3A_271 : i32
      %add3A_273 = arith.constant 80 : i32
      %add3A_274 = arith.addi %mul3A_272, %add3A_273 : i32
      %multiple_of3A_275 = tpu.assume_multiple %add3A_274, 16 : i32
      %get3A_276 = arith.index_cast %multiple_of3A_275 : i32 to index
      %get3A_277 = tpu.vector_load %arg6[%get3A_276] {strides = array<i32>} : memref<6400xi32, #tpu.memory_space<vmem>>, vector<16xi32>,
      %add3A_278 = arith.addi %get3A_277, %get3A_277 : vector<16xi32>
      %gather3A_279 = tpu.vector_load_idx %arg5[%add3A_278] : memref<61056xf32, #tpu.memory_space<vmem>>[vector<16xi32>], vector<16xf32>,
      %add3A_280 = arith.addf %scan3A_193, %gather3A_279 : vector<16xf32>
      %add3A_281 = arith.constant 1 : i32
      %add3A_282 = vector.broadcast %add3A_281 : i32 to vector<16xi32>
      %add3A_283 = arith.addi %add3A_278, %add3A_282 : vector<16xi32>
      %gather3A_284 = tpu.vector_load_idx %arg5[%add3A_283] : memref<61056xf32, #tpu.memory_space<vmem>>[vector<16xi32>], vector<16xf32>,
      %add3A_285 = arith.addf %scan3A_194, %gather3A_284 : vector<16xf32>
      %mul3A_286 = arith.constant 128 : i32
      %mul3A_287 = arith.muli %scan3A_182, %mul3A_286 : i32
      %add3A_288 = arith.constant 96 : i32
      %add3A_289 = arith.addi %mul3A_287, %add3A_288 : i32
      %multiple_of3A_290 = tpu.assume_multiple %add3A_289, 16 : i32
      %get3A_291 = arith.index_cast %multiple_of3A_290 : i32 to index
      %get3A_292 = tpu.vector_load %arg6[%get3A_291] {strides = array<i32>} : memref<6400xi32, #tpu.memory_space<vmem>>, vector<16xi32>,
      %add3A_293 = arith.addi %get3A_292, %get3A_292 : vector<16xi32>
      %gather3A_294 = tpu.vector_load_idx %arg5[%add3A_293] : memref<61056xf32, #tpu.memory_space<vmem>>[vector<16xi32>], vector<16xf32>,
      %add3A_295 = arith.addf %scan3A_195, %gather3A_294 : vector<16xf32>
      %add3A_296 = arith.constant 1 : i32
      %add3A_297 = vector.broadcast %add3A_296 : i32 to vector<16xi32>
      %add3A_298 = arith.addi %add3A_293, %add3A_297 : vector<16xi32>
      %gather3A_299 = tpu.vector_load_idx %arg5[%add3A_298] : memref<61056xf32, #tpu.memory_space<vmem>>[vector<16xi32>], vector<16xf32>,
      %add3A_300 = arith.addf %scan3A_196, %gather3A_299 : vector<16xf32>
      %mul3A_301 = arith.constant 128 : i32
      %mul3A_302 = arith.muli %scan3A_182, %mul3A_301 : i32
      %add3A_303 = arith.constant 112 : i32
      %add3A_304 = arith.addi %mul3A_302, %add3A_303 : i32
      %multiple_of3A_305 = tpu.assume_multiple %add3A_304, 16 : i32
      %get3A_306 = arith.index_cast %multiple_of3A_305 : i32 to index
      %get3A_307 = tpu.vector_load %arg6[%get3A_306] {strides = array<i32>} : memref<6400xi32, #tpu.memory_space<vmem>>, vector<16xi32>,
      %add3A_308 = arith.addi %get3A_307, %get3A_307 : vector<16xi32>
      %gather3A_309 = tpu.vector_load_idx %arg5[%add3A_308] : memref<61056xf32, #tpu.memory_space<vmem>>[vector<16xi32>], vector<16xf32>,
      %add3A_310 = arith.addf %scan3A_197, %gather3A_309 : vector<16xf32>
      %add3A_311 = arith.constant 1 : i32
      %add3A_312 = vector.broadcast %add3A_311 : i32 to vector<16xi32>
      %add3A_313 = arith.addi %add3A_308, %add3A_312 : vector<16xi32>
      %gather3A_314 = tpu.vector_load_idx %arg5[%add3A_313] : memref<61056xf32, #tpu.memory_space<vmem>>[vector<16xi32>], vector<16xf32>,
      %add3A_315 = arith.addf %scan3A_198, %gather3A_314 : vector<16xf32>
      scf.yield %add3A_205, %add3A_210, %add3A_220, %add3A_225, %add3A_235, %add3A_240, %add3A_250, %add3A_255, %add3A_265, %add3A_270, %add3A_280, %add3A_285, %add3A_295, %add3A_300, %add3A_310, %add3A_315 : vector<16xf32>, vector<16xf32>, vector<16xf32>, vector<16xf32>, vector<16xf32>, vector<16xf32>, vector<16xf32>, vector<16xf32>, vector<16xf32>, vector<16xf32>, vector<16xf32>, vector<16xf32>, vector<16xf32>, vector<16xf32>, vector<16xf32>, vector<16xf32>
    }
    %scan3A_57 = arith.constant 50 : i32
    %add3A_58 = arith.constant 0 : i32
    %add3A_59 = vector.broadcast %add3A_58 : i32 to vector<16xi32>
    %add3A_60 = arith.addi %iota3A, %add3A_59 : vector<16xi32>
    %mul3A_61 = arith.constant 2 : i32
    %mul3A_62 = vector.broadcast %mul3A_61 : i32 to vector<16xi32>
    %mul3A_63 = arith.muli %add3A_60, %mul3A_62 : vector<16xi32>
    %mul3A_64 = arith.constant 2.000000e-02 : f32
    %mul3A_65 = vector.broadcast %mul3A_64 : f32 to vector<16xf32>
    %mul3A_66 = arith.mulf %scan3A_56#0, %mul3A_65 : vector<16xf32>
    tpu.vector_store_idx %arg7[%mul3A_63], %mul3A_66 : memref<256xf32, #tpu.memory_space<vmem>>[vector<16xi32>], vector<16xf32>,
    %add3A_67 = arith.constant 1 : i32
    %add3A_68 = vector.broadcast %add3A_67 : i32 to vector<16xi32>
    %add3A_69 = arith.addi %mul3A_63, %add3A_68 : vector<16xi32>
    %mul3A_70 = arith.constant 2.000000e-02 : f32
    %mul3A_71 = vector.broadcast %mul3A_70 : f32 to vector<16xf32>
    %mul3A_72 = arith.mulf %scan3A_56#1, %mul3A_71 : vector<16xf32>
    tpu.vector_store_idx %arg7[%add3A_69], %mul3A_72 : memref<256xf32, #tpu.memory_space<vmem>>[vector<16xi32>], vector<16xf32>,
    %add3A_73 = arith.constant 16 : i32
    %add3A_74 = vector.broadcast %add3A_73 : i32 to vector<16xi32>
    %add3A_75 = arith.addi %iota3A, %add3A_74 : vector<16xi32>
    %mul3A_76 = arith.constant 2 : i32
    %mul3A_77 = vector.broadcast %mul3A_76 : i32 to vector<16xi32>
    %mul3A_78 = arith.muli %add3A_75, %mul3A_77 : vector<16xi32>
    %mul3A_79 = arith.constant 2.000000e-02 : f32
    %mul3A_80 = vector.broadcast %mul3A_79 : f32 to vector<16xf32>
    %mul3A_81 = arith.mulf %scan3A_56#2, %mul3A_80 : vector<16xf32>
    tpu.vector_store_idx %arg7[%mul3A_78], %mul3A_81 : memref<256xf32, #tpu.memory_space<vmem>>[vector<16xi32>], vector<16xf32>,
    %add3A_82 = arith.constant 1 : i32
    %add3A_83 = vector.broadcast %add3A_82 : i32 to vector<16xi32>
    %add3A_84 = arith.addi %mul3A_78, %add3A_83 : vector<16xi32>
    %mul3A_85 = arith.constant 2.000000e-02 : f32
    %mul3A_86 = vector.broadcast %mul3A_85 : f32 to vector<16xf32>
    %mul3A_87 = arith.mulf %scan3A_56#3, %mul3A_86 : vector<16xf32>
    tpu.vector_store_idx %arg7[%add3A_84], %mul3A_87 : memref<256xf32, #tpu.memory_space<vmem>>[vector<16xi32>], vector<16xf32>,
    %add3A_88 = arith.constant 32 : i32
    %add3A_89 = vector.broadcast %add3A_88 : i32 to vector<16xi32>
    %add3A_90 = arith.addi %iota3A, %add3A_89 : vector<16xi32>
    %mul3A_91 = arith.constant 2 : i32
    %mul3A_92 = vector.broadcast %mul3A_91 : i32 to vector<16xi32>
    %mul3A_93 = arith.muli %add3A_90, %mul3A_92 : vector<16xi32>
    %mul3A_94 = arith.constant 2.000000e-02 : f32
    %mul3A_95 = vector.broadcast %mul3A_94 : f32 to vector<16xf32>
    %mul3A_96 = arith.mulf %scan3A_56#4, %mul3A_95 : vector<16xf32>
    tpu.vector_store_idx %arg7[%mul3A_93], %mul3A_96 : memref<256xf32, #tpu.memory_space<vmem>>[vector<16xi32>], vector<16xf32>,
    %add3A_97 = arith.constant 1 : i32
    %add3A_98 = vector.broadcast %add3A_97 : i32 to vector<16xi32>
    %add3A_99 = arith.addi %mul3A_93, %add3A_98 : vector<16xi32>
    %mul3A_100 = arith.constant 2.000000e-02 : f32
    %mul3A_101 = vector.broadcast %mul3A_100 : f32 to vector<16xf32>
    %mul3A_102 = arith.mulf %scan3A_56#5, %mul3A_101 : vector<16xf32>
    tpu.vector_store_idx %arg7[%add3A_99], %mul3A_102 : memref<256xf32, #tpu.memory_space<vmem>>[vector<16xi32>], vector<16xf32>,
    %add3A_103 = arith.constant 48 : i32
    %add3A_104 = vector.broadcast %add3A_103 : i32 to vector<16xi32>
    %add3A_105 = arith.addi %iota3A, %add3A_104 : vector<16xi32>
    %mul3A_106 = arith.constant 2 : i32
    %mul3A_107 = vector.broadcast %mul3A_106 : i32 to vector<16xi32>
    %mul3A_108 = arith.muli %add3A_105, %mul3A_107 : vector<16xi32>
    %mul3A_109 = arith.constant 2.000000e-02 : f32
    %mul3A_110 = vector.broadcast %mul3A_109 : f32 to vector<16xf32>
    %mul3A_111 = arith.mulf %scan3A_56#6, %mul3A_110 : vector<16xf32>
    tpu.vector_store_idx %arg7[%mul3A_108], %mul3A_111 : memref<256xf32, #tpu.memory_space<vmem>>[vector<16xi32>], vector<16xf32>,
    %add3A_112 = arith.constant 1 : i32
    %add3A_113 = vector.broadcast %add3A_112 : i32 to vector<16xi32>
    %add3A_114 = arith.addi %mul3A_108, %add3A_113 : vector<16xi32>
    %mul3A_115 = arith.constant 2.000000e-02 : f32
    %mul3A_116 = vector.broadcast %mul3A_115 : f32 to vector<16xf32>
    %mul3A_117 = arith.mulf %scan3A_56#7, %mul3A_116 : vector<16xf32>
    tpu.vector_store_idx %arg7[%add3A_114], %mul3A_117 : memref<256xf32, #tpu.memory_space<vmem>>[vector<16xi32>], vector<16xf32>,
    %add3A_118 = arith.constant 64 : i32
    %add3A_119 = vector.broadcast %add3A_118 : i32 to vector<16xi32>
    %add3A_120 = arith.addi %iota3A, %add3A_119 : vector<16xi32>
    %mul3A_121 = arith.constant 2 : i32
    %mul3A_122 = vector.broadcast %mul3A_121 : i32 to vector<16xi32>
    %mul3A_123 = arith.muli %add3A_120, %mul3A_122 : vector<16xi32>
    %mul3A_124 = arith.constant 2.000000e-02 : f32
    %mul3A_125 = vector.broadcast %mul3A_124 : f32 to vector<16xf32>
    %mul3A_126 = arith.mulf %scan3A_56#8, %mul3A_125 : vector<16xf32>
    tpu.vector_store_idx %arg7[%mul3A_123], %mul3A_126 : memref<256xf32, #tpu.memory_space<vmem>>[vector<16xi32>], vector<16xf32>,
    %add3A_127 = arith.constant 1 : i32
    %add3A_128 = vector.broadcast %add3A_127 : i32 to vector<16xi32>
    %add3A_129 = arith.addi %mul3A_123, %add3A_128 : vector<16xi32>
    %mul3A_130 = arith.constant 2.000000e-02 : f32
    %mul3A_131 = vector.broadcast %mul3A_130 : f32 to vector<16xf32>
    %mul3A_132 = arith.mulf %scan3A_56#9, %mul3A_131 : vector<16xf32>
    tpu.vector_store_idx %arg7[%add3A_129], %mul3A_132 : memref<256xf32, #tpu.memory_space<vmem>>[vector<16xi32>], vector<16xf32>,
    %add3A_133 = arith.constant 80 : i32
    %add3A_134 = vector.broadcast %add3A_133 : i32 to vector<16xi32>
    %add3A_135 = arith.addi %iota3A, %add3A_134 : vector<16xi32>
    %mul3A_136 = arith.constant 2 : i32
    %mul3A_137 = vector.broadcast %mul3A_136 : i32 to vector<16xi32>
    %mul3A_138 = arith.muli %add3A_135, %mul3A_137 : vector<16xi32>
    %mul3A_139 = arith.constant 2.000000e-02 : f32
    %mul3A_140 = vector.broadcast %mul3A_139 : f32 to vector<16xf32>
    %mul3A_141 = arith.mulf %scan3A_56#10, %mul3A_140 : vector<16xf32>
    tpu.vector_store_idx %arg7[%mul3A_138], %mul3A_141 : memref<256xf32, #tpu.memory_space<vmem>>[vector<16xi32>], vector<16xf32>,
    %add3A_142 = arith.constant 1 : i32
    %add3A_143 = vector.broadcast %add3A_142 : i32 to vector<16xi32>
    %add3A_144 = arith.addi %mul3A_138, %add3A_143 : vector<16xi32>
    %mul3A_145 = arith.constant 2.000000e-02 : f32
    %mul3A_146 = vector.broadcast %mul3A_145 : f32 to vector<16xf32>
    %mul3A_147 = arith.mulf %scan3A_56#11, %mul3A_146 : vector<16xf32>
    tpu.vector_store_idx %arg7[%add3A_144], %mul3A_147 : memref<256xf32, #tpu.memory_space<vmem>>[vector<16xi32>], vector<16xf32>,
    %add3A_148 = arith.constant 96 : i32
    %add3A_149 = vector.broadcast %add3A_148 : i32 to vector<16xi32>
    %add3A_150 = arith.addi %iota3A, %add3A_149 : vector<16xi32>
    %mul3A_151 = arith.constant 2 : i32
    %mul3A_152 = vector.broadcast %mul3A_151 : i32 to vector<16xi32>
    %mul3A_153 = arith.muli %add3A_150, %mul3A_152 : vector<16xi32>
    %mul3A_154 = arith.constant 2.000000e-02 : f32
    %mul3A_155 = vector.broadcast %mul3A_154 : f32 to vector<16xf32>
    %mul3A_156 = arith.mulf %scan3A_56#12, %mul3A_155 : vector<16xf32>
    tpu.vector_store_idx %arg7[%mul3A_153], %mul3A_156 : memref<256xf32, #tpu.memory_space<vmem>>[vector<16xi32>], vector<16xf32>,
    %add3A_157 = arith.constant 1 : i32
    %add3A_158 = vector.broadcast %add3A_157 : i32 to vector<16xi32>
    %add3A_159 = arith.addi %mul3A_153, %add3A_158 : vector<16xi32>
    %mul3A_160 = arith.constant 2.000000e-02 : f32
    %mul3A_161 = vector.broadcast %mul3A_160 : f32 to vector<16xf32>
    %mul3A_162 = arith.mulf %scan3A_56#13, %mul3A_161 : vector<16xf32>
    tpu.vector_store_idx %arg7[%add3A_159], %mul3A_162 : memref<256xf32, #tpu.memory_space<vmem>>[vector<16xi32>], vector<16xf32>,
    %add3A_163 = arith.constant 112 : i32
    %add3A_164 = vector.broadcast %add3A_163 : i32 to vector<16xi32>
    %add3A_165 = arith.addi %iota3A, %add3A_164 : vector<16xi32>
    %mul3A_166 = arith.constant 2 : i32
    %mul3A_167 = vector.broadcast %mul3A_166 : i32 to vector<16xi32>
    %mul3A_168 = arith.muli %add3A_165, %mul3A_167 : vector<16xi32>
    %mul3A_169 = arith.constant 2.000000e-02 : f32
    %mul3A_170 = vector.broadcast %mul3A_169 : f32 to vector<16xf32>
    %mul3A_171 = arith.mulf %scan3A_56#14, %mul3A_170 : vector<16xf32>
    tpu.vector_store_idx %arg7[%mul3A_168], %mul3A_171 : memref<256xf32, #tpu.memory_space<vmem>>[vector<16xi32>], vector<16xf32>,
    %add3A_172 = arith.constant 1 : i32
    %add3A_173 = vector.broadcast %add3A_172 : i32 to vector<16xi32>
    %add3A_174 = arith.addi %mul3A_168, %add3A_173 : vector<16xi32>
    %mul3A_175 = arith.constant 2.000000e-02 : f32
    %mul3A_176 = vector.broadcast %mul3A_175 : f32 to vector<16xf32>
    %mul3A_177 = arith.mulf %scan3A_56#15, %mul3A_176 : vector<16xf32>
    tpu.vector_store_idx %arg7[%add3A_174], %mul3A_177 : memref<256xf32, #tpu.memory_space<vmem>>[vector<16xi32>], vector<16xf32>,
    %mul3A_178 = arith.constant 128 : i32
    %mul3A_179 = arith.muli %add3A, %mul3A_178 : i32
    %mul3A_180 = arith.constant 2 : i32
    %mul3A_181 = arith.muli %mul3A_179, %mul3A_180 : i32
    "tpu.region"() ({
      %run_scoped3A = tpu.sem_alloc : memref<!tpu.dma_semaphore, #tpu.memory_space<semaphore_mem>>
      %dma_start3A = tpu.memref_slice %arg4[%mul3A_181] : memref<8192xf32, #tpu.memory_space<hbm>> -> memref<256xf32, #tpu.memory_space<hbm>>
      %dma_start3A_182 = tpu.memref_slice %arg4[%mul3A_181] : memref<8192xf32, #tpu.memory_space<hbm>> -> memref<256xf32, #tpu.memory_space<hbm>>
      tpu.enqueue_dma source(%arg7 : memref<256xf32, #tpu.memory_space<vmem>>) target(%dma_start3A_182 : memref<256xf32, #tpu.memory_space<hbm>>) target_semaphore(%run_scoped3A : memref<!tpu.dma_semaphore, #tpu.memory_space<semaphore_mem>>)
      %dma_wait3A = tpu.memref_slice %arg4[%mul3A_181] : memref<8192xf32, #tpu.memory_space<hbm>> -> memref<256xf32, #tpu.memory_space<hbm>>
      %dma_wait3A_183 = tpu.memref_slice %arg4[%mul3A_181] : memref<8192xf32, #tpu.memory_space<hbm>> -> memref<256xf32, #tpu.memory_space<hbm>>
      tpu.wait_dma2 semaphore(%run_scoped3A : memref<!tpu.dma_semaphore, #tpu.memory_space<semaphore_mem>>) src(%arg7 : memref<256xf32, #tpu.memory_space<vmem>>) dst(%dma_wait3A_183 : memref<256xf32, #tpu.memory_space<hbm>>)
      tpu.yield
    }) : () -> ()
    return
  }
}

module attributes {stable_mosaic.version = 14 : i64} {
  func.func @_proj_body(%arg0: i32, %arg1: memref<4096x768xf32, #tpu.memory_space<vmem>>, %arg2: memref<2x768xf32, #tpu.memory_space<vmem>>, %arg3: memref<1x2xf32, #tpu.memory_space<vmem>>, %arg4: memref<4096x2xf32, #tpu.memory_space<vmem>>) attributes {dimension_semantics = [#tpu.dimension_semantics<parallel>], iteration_bounds = array<i64: 8>, scalar_prefetch = 0 : i64, scratch_operands = 0 : i64, tpu.core_type = #tpu.core_type<tc>, window_params = [{transform_indices = @transform_0, window_bounds = array<i64: 4096, 768>}, {pipeline_mode = #tpu.pipeline_mode<synchronous>, transform_indices = @transform_1, window_bounds = array<i64: 2, 768>}, {pipeline_mode = #tpu.pipeline_mode<synchronous>, transform_indices = @transform_2, window_bounds = array<i64: 1, 2>}, {transform_indices = @transform_3, window_bounds = array<i64: 4096, 2>}]} {
    %get3A = arith.constant 0 : index
    %get3A_0 = arith.constant 0 : index
    %get3A_1 = vector.load %arg1[%get3A, %get3A_0] : memref<4096x768xf32, #tpu.memory_space<vmem>>, vector<4096x768xf32>
    %get3A_2 = arith.constant 0 : index
    %get3A_3 = arith.constant 0 : index
    %get3A_4 = vector.load %arg2[%get3A_2, %get3A_3] : memref<2x768xf32, #tpu.memory_space<vmem>>, vector<2x768xf32>
    %dot_general3A = arith.constant dense<0.000000e+00> : vector<4096x2xf32>
    %dot_general3A_5 = tpu.matmul %get3A_1, %get3A_4, %dot_general3A {dimension_numbers = #tpu.dot_dimension_numbers<[1], [1], [0], [0], [0, 0, 1, 0], [], []>, transpose_lhs_hint = false} : vector<4096x768xf32>, vector<2x768xf32>, vector<4096x2xf32> -> vector<4096x2xf32>
    %get3A_6 = arith.constant 0 : index
    %get3A_7 = arith.constant 0 : index
    %get3A_8 = vector.load %arg3[%get3A_6, %get3A_7] : memref<1x2xf32, #tpu.memory_space<vmem>>, vector<1x2xf32>
    %add3A = vector.broadcast %get3A_8 : vector<1x2xf32> to vector<4096x2xf32>
    %add3A_9 = arith.addf %dot_general3A_5, %add3A : vector<4096x2xf32>
    %swap3A = arith.constant 0 : index
    %swap3A_10 = arith.constant 0 : index
    %swap3A_11 = vector.load %arg4[%swap3A, %swap3A_10] : memref<4096x2xf32, #tpu.memory_space<vmem>>, vector<4096x2xf32>
    tpu.vector_store %arg4[%swap3A, %swap3A_10], %add3A_9 {strides = array<i32>} : memref<4096x2xf32, #tpu.memory_space<vmem>>, vector<4096x2xf32>,
    return
  }
  func.func @transform_0(%arg0: i32) -> (i32, i32) {
    %c0_i32 = arith.constant 0 : i32
    %c0_i32_0 = arith.constant 0 : i32
    return %arg0, %c0_i32 : i32, i32
  }
  func.func @transform_1(%arg0: i32) -> (i32, i32) {
    %c0_i32 = arith.constant 0 : i32
    %c0_i32_0 = arith.constant 0 : i32
    %c0_i32_1 = arith.constant 0 : i32
    return %c0_i32, %c0_i32_0 : i32, i32
  }
  func.func @transform_2(%arg0: i32) -> (i32, i32) {
    %c0_i32 = arith.constant 0 : i32
    %c0_i32_0 = arith.constant 0 : i32
    %c0_i32_1 = arith.constant 0 : i32
    return %c0_i32, %c0_i32_0 : i32, i32
  }
  func.func @transform_3(%arg0: i32) -> (i32, i32) {
    %c0_i32 = arith.constant 0 : i32
    %c0_i32_0 = arith.constant 0 : i32
    return %arg0, %c0_i32 : i32, i32
  }
}

</mosaic_0001>

<sc_bundles>
// kernel: kernel.4.cloned.1.call-start
scs
__scs_entry_jumppad:
0x0: {  	(pc) =	sbr.rel $0x88, $3  }
0x1: {  	(tag) =	ssettag $0x0;
	lr =	simm.s32 $0x1  }
0x2: {  	[smem:$0x3F9D] =	sst lr;
	_ =	strace $0xD0000000  }
0x3: {  	_ = 	snop  }
0x4: {  	_ = 	snop  }
0x5: {  	_ = 	snop  }
0x6: {  	_ = 	snop  }
0x7: {  	_ = 	snop  }
__scs_overlays_trampoline_lowered:
0x8: {  	[smem:$0x3FAC] =	sst s0  }
0x9: {  	[smem:$0x3FAD] =	sst s1  }
0xa: {  	[smem:$0x3FAE] =	sst s2  }
0xb: {  	[smem:$0x3FAF] =	sst s3  }
0xc: {  	[smem:$0x3FB0] =	sst s4  }
0xd: {  	[smem:$0x3FB1] =	sst s5  }
0xe: {  	[smem:$0x3FB2] =	sst s6  }
0xf: {  	[smem:$0x3FB3] =	sst s7  }
0x10: {  	[smem:$0x3FB4] =	sst s8  }
0x11: {  	[smem:$0x3FB5] =	sst s9;
	s0 =	simm.s32 @!p0 $0x0  }
0x12: {  	s1 =	sld [smem:$0x3F9B];
	s0 =	simm.s32 @p0 $0x1  }
0x13: {  	[smem:$0x3FB6] =	sst s0;
	s0 =	simm.s32 @!p1 $0x0  }
0x14: {  	s2 =	sld [smem:$0x3F9A];
	s0 =	simm.s32 @p1 $0x1  }
0x15: {  	[smem:$0x3FB7] =	sst s0;
	s0 =	simm.s32 @!p2 $0x0  }
0x16: {  	s3 =	sld [smem:$0x3FDB];
	s0 =	simm.s32 @p2 $0x1  }
0x17: {  	s4 =	simm.s32 $0x1BF5;
	[smem:$0x3FB9] =	sst s0  }
0x18: {  	s0 =	sld [smem:$0x3F9C];
	_ =	swait.ge [sflag:s4], $0x0  }
0x19: {  	s7 =	sld [smem:$0x3F9D]  }
0x1a: {  	s8 =	sadd.s32 $0xFFFFE003, lr  }
0x1b: {  	s9 =	sadd.s32 $0xFFFFFEF7, lr;
	s5 =	simm.s32 $0xFFFFFFFF;
	p2 =	slt.u32 s8, $0xFFFFF086  }
0x1c: {  	p1 =	slt.u32 s9, $0xF7A;
	s5 =	simm.s32 @!p2 $0x0  }
0x1d: {  	s5 =	simm.s32 @p1 $0x1;
	p0 =	seq.s32 s7, s2  }
0x1e: {  	s7 =	smul.u32 @!p0 $0xF7A, s2;
	p2 =	seq.s32 @!p0 s5, $0x0  }
0x1f: {  	s9 =	smul.u32 $0xF7A, s1;
	s8 =	simm.s32 @!p0 $0x1BF5;
	p2 =	por !p2, p0  }
0x20: {  	[sflag:s8] =	ssyncset.s32 @!p0 $0xFFFFF086;
	s6 =	sadd.s32 @!p0 s3, s7;
	s7 =	simm.s32 @!p0 $0x108  }
0x21: {  	s3 =	sadd.s32 s3, s9;
	s6 =	sadd.s32 @!p0 $0x88, s6;
	s7 =	simm.s32 @p2 $0x1082  }
0x22: {  	[simem:s7], [sflag:s8] =	dma.local @!p0 [hbm:s6], $0xF7A  }
0x23: {  	s9 =	sor.u32 $0xD0000000, s2;
	s6 =	simm.s32 $0x108;
	_ =	swait.ge @!p0 [sflag:s8], $0x0  }
0x24: {  	s3 =	sadd.s32 $0x88, s3;
	s6 =	simm.s32 @!p1 $0x1082;
	[sflag:s4] =	ssyncset.s32 $0xFFFFF086  }
0x25: {  	[simem:s6], [sflag:s4] =	dma.local [hbm:s3], $0xF7A  }
0x26: {  	[smem:$0x3F9D] =	sst s1;
	(tag) =	ssettag s2;
	_ =	strace s9  }
0x27: {  	s1 =	sld [smem:$0x3FAD]  }
0x28: {  	s2 =	sld [smem:$0x3FAE]  }
0x29: {  	s4 =	sld [smem:$0x3FB0]  }
0x2a: {  	p0 =	seq.s32 s5, $0x0;
	s5 =	sld [smem:$0x3FB1]  }
0x2b: {  	s6 =	sld [smem:$0x3FB2]  }
0x2c: {  	s7 =	sld [smem:$0x3FB3]  }
0x2d: {  	s3 =	simm.s32 $0x108;
	s8 =	sld [smem:$0x3FB4]  }
0x2e: {  	s3 =	simm.s32 @!p0 $0x1082;
	s9 =	sld [smem:$0x3FB5]  }
0x2f: {  	lr =	sadd.s32 s0, s3;
	s0 =	sld [smem:$0x3FAC]  }
0x30: {  	s3 =	sld [smem:$0x3FAF]  }
0x31: {  	[smem:$0x3FB8] =	sst s10  }
0x32: {  	s10 =	sld [smem:$0x3FB6];
	_ =	sdelay $0x3  }
0x33: {  	p0 =	seq.s32 s10, $0x1;
	s10 =	sld [smem:$0x3FB8];
	_ =	sdelay $0x3  }
0x34: {  	[smem:$0x3FB8] =	sst s10  }
0x35: {  	s10 =	sld [smem:$0x3FB7];
	_ =	sdelay $0x3  }
0x36: {  	p1 =	seq.s32 s10, $0x1;
	s10 =	sld [smem:$0x3FB8];
	_ =	sdelay $0x3  }
0x37: {  	[smem:$0x3FB8] =	sst s10  }
0x38: {  	s10 =	sld [smem:$0x3FB9]  }
0x39: {  	_ = 	snop;
	(pc) =	sbr.ind lr, $3  }
0x3a: {  	_ = 	snop  }
0x3b: {  	_ = 	snop  }
0x3c: {  	p2 =	seq.s32 s10, $0x1;
	s10 =	sld [smem:$0x3FB8]  }
0x3d: {  	_ =	shalt  }
0x3e: {  	_ =	shalt  }
0x3f: {  	_ =	shalt  }
0x40: {  	_ =	shalt  }
0x41: {  	_ =	shalt  }
0x42: {  	_ =	shalt  }
0x43: {  	_ =	shalt  }
0x44: {  	_ =	shalt  }
0x45: {  	_ =	shalt  }
0x46: {  	_ =	shalt  }
0x47: {  	_ =	shalt  }
0x48: {  	_ =	shalt  }
0x49: {  	_ =	shalt  }
0x4a: {  	_ =	shalt  }
0x4b: {  	_ =	shalt  }
0x4c: {  	_ =	shalt  }
0x4d: {  	_ =	shalt  }
0x4e: {  	_ =	shalt  }
0x4f: {  	_ =	shalt  }
0x50: {  	_ =	shalt  }
0x51: {  	_ =	shalt  }
0x52: {  	_ =	shalt  }
0x53: {  	_ =	shalt  }
0x54: {  	_ =	shalt  }
0x55: {  	_ =	shalt  }
0x56: {  	_ =	shalt  }
0x57: {  	_ =	shalt  }
0x58: {  	_ =	shalt  }
0x59: {  	_ =	shalt  }
0x5a: {  	_ =	shalt  }
0x5b: {  	_ =	shalt  }
0x5c: {  	_ =	shalt  }
0x5d: {  	_ =	shalt  }
0x5e: {  	_ =	shalt  }
0x5f: {  	_ =	shalt  }
0x60: {  	_ =	shalt  }
0x61: {  	_ =	shalt  }
0x62: {  	_ =	shalt  }
0x63: {  	_ =	shalt  }
0x64: {  	_ =	shalt  }
0x65: {  	_ =	shalt  }
0x66: {  	_ =	shalt  }
0x67: {  	_ =	shalt  }
0x68: {  	_ =	shalt  }
0x69: {  	_ =	shalt  }
0x6a: {  	_ =	shalt  }
0x6b: {  	_ =	shalt  }
0x6c: {  	_ =	shalt  }
0x6d: {  	_ =	shalt  }
0x6e: {  	_ =	shalt  }
0x6f: {  	_ =	shalt  }
0x70: {  	_ =	shalt  }
0x71: {  	_ =	shalt  }
0x72: {  	_ =	shalt  }
0x73: {  	_ =	shalt  }
0x74: {  	_ =	shalt  }
0x75: {  	_ =	shalt  }
0x76: {  	_ =	shalt  }
0x77: {  	_ =	shalt  }
0x78: {  	_ =	shalt  }
0x79: {  	_ =	shalt  }
0x7a: {  	_ =	shalt  }
0x7b: {  	_ =	shalt  }
0x7c: {  	_ =	shalt  }
0x7d: {  	_ =	shalt  }
0x7e: {  	_ =	shalt  }
0x7f: {  	_ =	shalt  }
0x80: {  	_ =	shalt  }
0x81: {  	_ =	shalt  }
0x82: {  	_ =	shalt  }
0x83: {  	_ =	shalt  }
0x84: {  	_ =	shalt  }
0x85: {  	_ =	shalt  }
0x86: {  	_ =	shalt  }
0x87: {  	_ =	shalt  }
.Lfunc_end0:
.L_simem_size_0:
called_computation_lowered:
.L_overlay_start_0:
0x88: {  	s2 =	sld [smem:$0x3FD9]  }
0x89: {  	s3 =	sld [smem:$0x3FFE];
	_ =	sdelay $0x1  }
0x8a: {  	s1 =	srdreg.scid  }
0x8b: {  	s0 =	sand.u32 $0x1, s1  }
0x8c: {  	s14 =	sshll.u32 s0, $0xA;
	s2 =	sadd.s32 s3, s2  }
0x8d: {  	s2 =	sadd.s32 s2, s14  }
0x8e: {  	[smem:$0x3FC4] =	sst s2  }
0x8f: {  	_ = 	snop  }
0x90: {  	s2 =	sld [smem:$0x3FD0];
	_ =	sdelay $0x2  }
0x91: {  	s15 =	simm.s32 $0xA;
	s4 =	simm.s32 $0x10  }
0x92: {  	[smem:s4], [sflag:s15] =	dma.local [hbm:s2], $0x1  }
0x93: {  	_ =	swait.eq [sflag:s15], $0x1  }
0x94: {  	[sflag:s15] =	ssyncset.done $0x0  }
0x95: {  	[sflag:s15] =	ssyncadd.s32 $0xFFFFFFFF  }
0x96: {  	s16 =	sld [smem:$0x11];
	(tm) =	ssettm $0x1  }
0x97: {  	s17 =	sld [smem:$0x3FFB];
	_ =	sdelay $0x3  }
0x98: {  	_ =	strace s17  }
0x99: {  	s3 =	sld [smem:$0x3FFC];
	_ =	sdelay $0x3  }
0x9a: {  	_ =	strace s3  }
0x9b: {  	s3 =	sld [smem:$0x3FFD];
	_ =	sdelay $0x3  }
0x9c: {  	_ =	strace s3  }
0x9d: {  	_ =	strace $0x8FFFFFFF  }
0x9e: {  	s18 =	sld [smem:$0x3FDB];
	_ =	sdelay $0x1  }
0x9f: {  	s19 =	simm.s32 $_scs_section_size  }
0xa0: {  	s5 =	simm.s32 $_size__tile_overlayer_lowered;
	s6 =	simm.s32 $_tile_overlayer_lowered  }
0xa1: {  	s22 =	simm.s32 $0x1BFF;
	s21 =	sshll.u32 s6, $0x1;
	s3 =	sadd.s32 s19, s18  }
0xa2: {  	s7 =	simm.s32 $0x0;
	s20 =	sshll.u32 s5, $0x1;
	s5 =	sadd.s32 s21, s3  }
0xa3: {  	[timem:s7], [sflag:s22] =	dma.local [hbm:s5], s20  }
0xa4: {  	_ =	swait.ge [sflag:s22], s20  }
0xa5: {  	s4 =	ssub.s32 $0x0, s20;
	[sflag:s22] =	ssyncset.done $0x0  }
0xa6: {  	[sflag:s22] =	ssyncadd.s32 s4;
	_ =	sdelay $0x1  }
0xa7: {  	s23 =	simm.s32 $0x1B8B  }
0xa8: {  	_ =	swait.ge [sflag:s23], $0x1  }
0xa9: {  	[sflag:s23] =	ssyncset.done $0x0  }
0xaa: {  	s25 =	simm.s32 $0x1B8E;
	s24 =	sld [smem:$0x3FFE];
	[sflag:s23] =	ssyncadd.s32 $0xFFFFFFFF  }
0xab: {  	s26 =	simm.s32 $execute0_lowered;
	[smem:$0x3FD2] =	sst s25  }
0xac: {  	s5 =	sshll.u32 s26, $0x1;
	_ =	strace $0x80000046;
	[dreg:$0x1] =	wrdreg $0xFFFFFFFF  }
0xad: {  	s28 =	simm.s32 $_size_execute0_lowered;
	s3 =	sadd.s32 s3, s5;
	[dreg:$0x0] =	wrdreg $0x0  }
0xae: {  	s5 =	sshll.u32 s28, $0x1;
	[dreg:$0x2] =	wrdreg s3  }
0xaf: {  	[dreg:$0x3] =	wrdreg s5  }
0xb0: {  	[dreg:$0x4] =	wrdreg $0xC0  }
0xb1: {  	_ =	task [dreg:s7], $0x5FFFF  }
0xb2: {  	[dreg:$0x1] =	wrdreg $0xFFFFFFFF  }
0xb3: {  	[dreg:$0x0] =	wrdreg $0x60  }
0xb4: {  	[dreg:$0x2] =	wrdreg s24  }
0xb5: {  	[dreg:$0x3] =	wrdreg s16  }
0xb6: {  	[dreg:$0x4] =	wrdreg $0x9  }
0xb7: {  	_ =	task.clear_ibuf [dreg:s7], $0x5FFFF;
	_ =	strace $0x90000046  }
0xb8: {  	s29 =	simm.s32 $0x9;
	_ =	strace $0x80000048  }
0xb9: {  	_ =	swait.ge [sflag:s29], $0x1  }
0xba: {  	[sflag:s29] =	ssyncadd.s32 $0xFFFFFFFF  }
0xbb: {  	_ =	strace $0x90000048  }
0xbc: {  	_ =	sfence  }
0xbd: {  	s30 =	sld [smem:$0x0];
	_ =	sdelay $0x2  }
0xbe: {  	s31 =	sshll.u32 s1, $0xD;
	s1 =	sshrl.u32 s1, $0x2  }
0xbf: {  	s3 =	sand.u32 $0x4000, s31;
	s1 =	sadd.s32 s1, s30  }
0xc0: {  	s0 =	sor.u32 s3, s0;
	s1 =	sshll.u32 s1, $0x11  }
0xc1: {  	s0 =	sor.u32 s1, s0  }
0xc2: {  	s0 =	sadd.s32 $0x8F2B, s0  }
0xc3: {  	[sflag:s0] =	ssyncadd.remote.s32 $0x1  }
0xc4: {  	_ =	sfence.sel $0xFFFF  }
0xc5: {  	[dreg:$0x0] =	wrdreg $0xFFFFFFFF;
	(pc) =	sbr.abs _section_cstart, $3  }
0xc6: {  	[dreg:$0x1] =	wrdreg $0xFFFFFFFF  }
0xc7: {  	_ =	task.clear_ibuf [dreg:s7], $0x2FFFF;
	_ =	strace $0x9FFFFFFF  }
0xc8: {  	(tm) =	ssettm $0x7FFFFFFF  }
0xc9: {  	_ =	shalt  }
tec
execute0_lowered:
.L_overlay_start_1:
0x0: {  	(tag) =	ssettag $0x1  }
0x1: {  	s6 =	rddreg [dreg:$0x0]  }
0x2: {  	s20 =	rddreg [dreg:$0x1]  }
0x3: {  	s0 =	rddreg [dreg:$0x2]  }
0x4: {  	s2 =	simm.s32 $0x0;
	s3 =	srdreg.scid;
	s1 =	stileid.u32  }
0x5: {  	[smem:$0x7FF] =	sst s2;
	s4 =	sand.u32 $0x1, s3;
	s23 =	sshll.u32 s1, $0x1  }
0x6: {  	s18 =	sadd.s32 $0xC00, s6;
	_ =	strace $0x80000047;
	s21 =	sor.u32 s4, s23  }
0x7: {  	s9 =	ssub.s32 $0x2, s4;
	s7 =	smul.u32 $0x320, s21;
	s10 =	sand.u32 $0x7, s21  }
0x8: {  	s5 =	sadd.s32 $0x1, s21;
	s8 =	sadd.s32 $0x2, s21;
	s25 =	sshrl.u32 s9, $0x1  }
0x9: {  	s29 =	sadd.s32 $0x3, s21;
	s30 =	sadd.s32 $0x5, s21;
	s12 =	sadd.s32 $0x6, s21  }
0xa: {  	s13 =	sadd.s32 $0xFFFFFFFF, s21;
	s3 =	smul.u32 $0x1DD0, s10;
	s5 =	sand.u32 $0x7, s5  }
0xb: {  	s21 =	sshll.u32 s21, $0x5;
	s24 =	sand.u32 $0x7, s8;
	s4 =	smul.u32 $0x1DD0, s5  }
0xc: {  	s22 =	ssub.s32 s9, s25;
	s9 =	sand.u32 $0x7, s29;
	s5 =	smul.u32 $0x1DD0, s24  }
0xd: {  	s10 =	sxor.u32 $0x4, s10;
	s12 =	sand.u32 $0x7, s12;
	s9 =	smul.u32 $0x1DD0, s9  }
0xe: {  	s15 =	sand.u32 $0x7, s13;
	s20 =	sadd.s32 s20, s21;
	s10 =	smul.u32 $0x1DD0, s10  }
0xf: {  	s25 =	simm.s32 $0x0;
	s19 =	sadd.s32 s7, s6;
	s12 =	smul.u32 $0x1DD0, s12  }
0x10: {  	v0 =	vlaneseq.u32;
	s21 =	smax.u32 s22, $0x1;
	s22 =	simm.s32 $0x1;
	s11 =	sshrl.u32 s3, $0x3  }
0x11: {  	v0 =	vmul.u32 $0x2, v0;
	s24 =	simm.s32 $0x10780;
	s19 =	sadd.s32 $0x2A00, s19;
	s6 =	sadd.s32 s18, s11  }
0x12: {  	s26 =	sshrl.u32 s4, $0x3;
	s28 =	sshrl.u32 s5, $0x3;
	s11 =	sand.u32 $0x7, s30  }
0x13: {  	v1 =	vor.u32 $0x1, v0;
	v2 =	vor.u32 $0x20, v0;
	v3 =	vor.u32 $0x21, v0;
	s14 =	sshrl.u32 s9, $0x3;
	s16 =	sshrl.u32 s10, $0x3;
	s11 =	smul.u32 $0x1DD0, s11  }
0x14: {  	v4 =	vor.u32 $0x40, v0;
	v5 =	vor.u32 $0x41, v0;
	v6 =	vor.u32 $0x60, v0;
	s17 =	sshrl.u32 s12, $0x3;
	s13 =	sadd.s32 s18, s14;
	s14 =	smul.u32 $0x1DD0, s15  }
0x15: {  	v7 =	vor.u32 $0x61, v0;
	v8 =	vor.u32 $0x80, v0;
	v9 =	vor.u32 $0x81, v0;
	s7 =	sadd.s32 s18, s26;
	s8 =	sadd.s32 s18, s28;
	s15 =	sadd.s32 s18, s16  }
0x16: {  	v10 =	vor.u32 $0xA0, v0;
	v11 =	vor.u32 $0xA1, v0;
	v12 =	vor.u32 $0xC0, v0;
	s17 =	sadd.s32 s18, s17;
	s31 =	sshrl.u32 s11, $0x3;
	s23 =	sshrl.u32 s14, $0x3  }
0x17: {  	v13 =	vor.u32 $0xC1, v0;
	v14 =	vor.u32 $0xE0, v0;
	v15 =	vor.u32 $0xE1, v0;
	s16 =	sadd.s32 s18, s31;
	s18 =	sadd.s32 s18, s23;
	s23 =	simm.s32 $0xEE80  }
.LBB2_1:
0x18: {  	[tilespmem:s3], [sflag:$0x1] =	stream.linear.gather [hbm4b:s6+s2], $0x1DD0, $0x38;
	[tilespmem:$0x10880] =	vst v63  }
0x19: {  	_ =	swait.ge [sflag:s22], $0x1DD0  }
0x1a: {  	[sflag:s22] =	ssyncset.done $0x0  }
0x1b: {  	[sflag:s22] =	ssyncadd.s32 $0xFFFFE230  }
0x1c: {  	[tilespmem:s4], [sflag:$0x1] =	stream.linear.gather [hbm4b:s7+s2], $0x1DD0, $0x38;
	[tilespmem:$0x10880] =	vst v63  }
0x1d: {  	_ =	swait.ge [sflag:s22], $0x1DD0  }
0x1e: {  	[sflag:s22] =	ssyncset.done $0x0  }
0x1f: {  	[sflag:s22] =	ssyncadd.s32 $0xFFFFE230  }
0x20: {  	[tilespmem:s5], [sflag:$0x1] =	stream.linear.gather [hbm4b:s8+s2], $0x1DD0, $0x38;
	[tilespmem:$0x10880] =	vst v63  }
0x21: {  	_ =	swait.ge [sflag:s22], $0x1DD0  }
0x22: {  	[sflag:s22] =	ssyncset.done $0x0  }
0x23: {  	[sflag:s22] =	ssyncadd.s32 $0xFFFFE230  }
0x24: {  	[tilespmem:s9], [sflag:$0x1] =	stream.linear.gather [hbm4b:s13+s2], $0x1DD0, $0x38;
	[tilespmem:$0x10880] =	vst v63  }
0x25: {  	_ =	swait.ge [sflag:s22], $0x1DD0  }
0x26: {  	[sflag:s22] =	ssyncset.done $0x0  }
0x27: {  	[sflag:s22] =	ssyncadd.s32 $0xFFFFE230  }
0x28: {  	[tilespmem:s10], [sflag:$0x1] =	stream.linear.gather [hbm4b:s15+s2], $0x1DD0, $0x38;
	[tilespmem:$0x10880] =	vst v63  }
0x29: {  	_ =	swait.ge [sflag:s22], $0x1DD0  }
0x2a: {  	[sflag:s22] =	ssyncset.done $0x0  }
0x2b: {  	[sflag:s22] =	ssyncadd.s32 $0xFFFFE230  }
0x2c: {  	[tilespmem:s11], [sflag:$0x1] =	stream.linear.gather [hbm4b:s16+s2], $0x1DD0, $0x38;
	[tilespmem:$0x10880] =	vst v63  }
0x2d: {  	_ =	swait.ge [sflag:s22], $0x1DD0  }
0x2e: {  	[sflag:s22] =	ssyncset.done $0x0  }
0x2f: {  	[sflag:s22] =	ssyncadd.s32 $0xFFFFE230  }
0x30: {  	[tilespmem:s12], [sflag:$0x1] =	stream.linear.gather [hbm4b:s17+s2], $0x1DD0, $0x38;
	[tilespmem:$0x10880] =	vst v63  }
0x31: {  	_ =	swait.ge [sflag:s22], $0x1DD0  }
0x32: {  	[sflag:s22] =	ssyncset.done $0x0  }
0x33: {  	[sflag:s22] =	ssyncadd.s32 $0xFFFFE230  }
0x34: {  	[tilespmem:s14], [sflag:$0x1] =	stream.linear.gather [hbm4b:s18+s2], $0x1DD0, $0x38;
	[tilespmem:$0x10880] =	vst v63  }
0x35: {  	_ =	swait.ge [sflag:s22], $0x1DD0  }
0x36: {  	[sflag:s22] =	ssyncset.done $0x0  }
0x37: {  	[sflag:s22] =	ssyncadd.s32 $0xFFFFE230  }
0x38: {  	[tilespmem:s23], [sflag:$0x1] =	stream.linear.gather [hbm4b:s19+s2], $0x1900, $0x38;
	[tilespmem:$0x10880] =	vst v63  }
0x39: {  	_ =	swait.ge [sflag:s22], $0x1900  }
0x3a: {  	[sflag:s22] =	ssyncset.done $0x0  }
0x3b: {  	s26 =	simm.s32 $0x0;
	[sflag:s22] =	ssyncadd.s32 $0xFFFFE700  }
0x3c: {  	v16 =	vld [tilespmem:s26+$0xEEF0]  }
0x3d: {  	v17 =	vld [tilespmem:s26+$0xEE80]  }
0x3e: {  	v18 =	vld [tilespmem:s26+$0xEE90]  }
0x3f: {  	v19 =	vld [tilespmem:s26+$0xEEA0]  }
0x40: {  	v20 =	vld [tilespmem:s26+$0xEEB0]  }
0x41: {  	v21 =	vld [tilespmem:s26+$0xEEC0];
	v16 =	vshll.u32 v16, $0x1  }
0x42: {  	v22 =	vshll.u32 v17, $0x1;
	v23 =	vor.u32 $0x1, v16  }
0x43: {  	v17 =	vld [tilespmem:s26+$0xEED0];
	v27 =	vshll.u32 v18, $0x1;
	v24 =	vor.u32 $0x1, v22  }
0x44: {  	v18 =	vld [tilespmem:s26+$0xEEE0];
	v19 =	vshll.u32 v19, $0x1;
	v25 =	vor.u32 $0x1, v27  }
0x45: {  	v28 =	vshll.u32 v20, $0x1;
	v26 =	vor.u32 $0x1, v19  }
0x46: {  	v36 =	vshll.u32 v21, $0x1;
	v20 =	vor.u32 $0x1, v28;
	v16 =	vld.idx.msk [tilespmem:v16+s2+$0x0], $0xffff  }
0x47: {  	v21 =	vor.u32 $0x1, v36;
	v23 =	vld.idx.msk [tilespmem:v23+s2+$0x0], $0xffff  }
0x48: {  	v32 =	vshll.u32 v17, $0x1;
	v24 =	vld.idx.msk [tilespmem:v24+s2+$0x0], $0xffff  }
0x49: {  	v33 =	vshll.u32 v18, $0x1;
	v17 =	vor.u32 $0x1, v32;
	v25 =	vld.idx.msk [tilespmem:v25+s2+$0x0], $0xffff  }
0x4a: {  	v29 =	vor.u32 $0x1, v33;
	v30 =	vld.idx.msk [tilespmem:v26+s2+$0x0], $0xffff  }
0x4b: {  	v20 =	vld.idx.msk [tilespmem:v20+s2+$0x0], $0xffff  }
0x4c: {  	v31 =	vld.idx.msk [tilespmem:v21+s2+$0x0], $0xffff  }
0x4d: {  	v18 =	vimm.f32 $0.0e+00;
	v39 =	vld.idx.msk [tilespmem:v22+s2+$0x0], $0xffff  }
0x4e: {  	v35 =	vld.idx.msk [tilespmem:v17+s2+$0x0], $0xffff;
	v17 =	vadd.f32 v16, v18  }
0x4f: {  	v16 =	vadd.f32 v23, v18;
	v34 =	vld.idx.msk [tilespmem:v29+s2+$0x0], $0xffff;
	v26 =	vadd.f32 v24, v18  }
0x50: {  	v38 =	vld.idx.msk [tilespmem:v27+s2+$0x0], $0xffff;
	v27 =	vimm.f32 $0.0e+00;
	v25 =	vadd.f32 v25, v18;
	v23 =	vadd.f32 v30, v18  }
0x51: {  	v37 =	vld.idx.msk [tilespmem:v19+s2+$0x0], $0xffff;
	v22 =	vimm.f32 $0.0e+00;
	v21 =	vadd.f32 v20, v18;
	v20 =	vadd.f32 v31, v18  }
0x52: {  	v36 =	vld.idx.msk [tilespmem:v36+s2+$0x0], $0xffff;
	v31 =	vimm.f32 $0.0e+00;
	v30 =	vimm.f32 $0.0e+00;
	v29 =	vimm.f32 $0.0e+00  }
0x53: {  	s28 =	simm.s32 $0x80;
	s26 =	simm.s32 $0x400;
	v24 =	vimm.f32 $0.0e+00;
	v19 =	vadd.f32 v35, v18;
	v35 =	vld.idx.msk [tilespmem:v28+s2+$0x0], $0xffff;
	v28 =	vimm.f32 $0.0e+00  }
.LBB2_2:
0x54: {  	p0 =	sne.s32 s26, $0x6200;
	v40 =	vld [tilespmem:s28+$0xEEF0];
	v18 =	vadd.f32 v34, v18  }
0x55: {  	v31 =	vadd.f32 v39, v31;
	v34 =	vld [tilespmem:s28+$0xEE80]  }
0x56: {  	v30 =	vadd.f32 v38, v30;
	v39 =	vld [tilespmem:s28+$0xEE90]  }
0x57: {  	v29 =	vadd.f32 v37, v29;
	v38 =	vld [tilespmem:s28+$0xEEA0]  }
0x58: {  	v28 =	vadd.f32 v35, v28;
	v37 =	vld [tilespmem:s28+$0xEEB0]  }
0x59: {  	v27 =	vadd.f32 v36, v27;
	v35 =	vld [tilespmem:s28+$0xEEC0];
	v40 =	vshll.u32 v40, $0x1  }
0x5a: {  	v36 =	vshll.u32 v34, $0x1;
	v34 =	vld [tilespmem:s28+$0xEED0];
	v41 =	vor.u32 $0x1, v40  }
0x5b: {  	v42 =	vor.u32 $0x1, v36;
	v43 =	vshll.u32 v39, $0x1;
	v39 =	vld [tilespmem:s28+$0xEEE0]  }
0x5c: {  	v44 =	vor.u32 $0x1, v43;
	v45 =	vshll.u32 v38, $0x1;
	v38 =	vld.idx.msk [tilespmem:v32+s2+$0x0], $0xffff  }
0x5d: {  	v46 =	vor.u32 $0x1, v45;
	v47 =	vshll.u32 v37, $0x1;
	v37 =	vld.idx.msk [tilespmem:v33+s2+$0x0], $0xffff  }
0x5e: {  	v48 =	vor.u32 $0x1, v47;
	v49 =	vshll.u32 v35, $0x1;
	v35 =	vld.idx.msk [tilespmem:v40+s2+$0x0], $0xffff  }
0x5f: {  	v40 =	vor.u32 $0x1, v49;
	v32 =	vshll.u32 v34, $0x1;
	v34 =	vld.idx.msk [tilespmem:v41+s2+$0x0], $0xffff  }
0x60: {  	v41 =	vld.idx.msk [tilespmem:v42+s2+$0x0], $0xffff;
	v42 =	vor.u32 $0x1, v32;
	v33 =	vshll.u32 v39, $0x1  }
0x61: {  	v44 =	vld.idx.msk [tilespmem:v44+s2+$0x0], $0xffff;
	v39 =	vor.u32 $0x1, v33  }
0x62: {  	v24 =	vadd.f32 v38, v24;
	v46 =	vld.idx.msk [tilespmem:v46+s2+$0x0], $0xffff  }
0x63: {  	v22 =	vadd.f32 v37, v22;
	v48 =	vld.idx.msk [tilespmem:v48+s2+$0x0], $0xffff  }
0x64: {  	v17 =	vadd.f32 v35, v17;
	v40 =	vld.idx.msk [tilespmem:v40+s2+$0x0], $0xffff  }
0x65: {  	v16 =	vadd.f32 v34, v16;
	v42 =	vld.idx.msk [tilespmem:v42+s2+$0x0], $0xffff  }
0x66: {  	v26 =	vadd.f32 v41, v26;
	v34 =	vld.idx.msk [tilespmem:v39+s2+$0x0], $0xffff  }
.Ltmp0:
0x67: {  	v25 =	vadd.f32 v44, v25;
	v39 =	vld.idx.msk [tilespmem:v36+s2+$0x0], $0xffff;
	(pc) =	sbr.rel @p0 .LBB2_2-.Ltmp0, $4  }
0x68: {  	v23 =	vadd.f32 v46, v23;
	v38 =	vld.idx.msk [tilespmem:v43+s2+$0x0], $0xffff  }
0x69: {  	v21 =	vadd.f32 v48, v21;
	v37 =	vld.idx.msk [tilespmem:v45+s2+$0x0], $0xffff  }
0x6a: {  	v20 =	vadd.f32 v40, v20;
	v35 =	vld.idx.msk [tilespmem:v47+s2+$0x0], $0xffff  }
0x6b: {  	s28 =	sshra.s32 s26, $0x2;
	s26 =	sadd.s32 $0x200, s26;
	v19 =	vadd.f32 v42, v19;
	v36 =	vld.idx.msk [tilespmem:v49+s2+$0x0], $0xffff  }
0x6c: {  	v40 =	vld [tilespmem:s28+$0xEEF0]  }
0x6d: {  	v41 =	vld [tilespmem:s28+$0xEE80]  }
0x6e: {  	v42 =	vld [tilespmem:s28+$0xEE90]  }
0x6f: {  	v43 =	vld [tilespmem:s28+$0xEEA0]  }
0x70: {  	v44 =	vld [tilespmem:s28+$0xEEB0]  }
0x71: {  	v45 =	vld [tilespmem:s28+$0xEEC0];
	v40 =	vshll.u32 v40, $0x1  }
0x72: {  	v46 =	vld [tilespmem:s28+$0xEED0];
	v41 =	vshll.u32 v41, $0x1  }
0x73: {  	v49 =	vld [tilespmem:s28+$0xEEE0];
	v42 =	vshll.u32 v42, $0x1  }
0x74: {  	v32 =	vld.idx.msk [tilespmem:v32+s2+$0x0], $0xffff;
	v43 =	vshll.u32 v43, $0x1  }
0x75: {  	v33 =	vld.idx.msk [tilespmem:v33+s2+$0x0], $0xffff;
	v44 =	vshll.u32 v44, $0x1  }
0x76: {  	v45 =	vshll.u32 v45, $0x1;
	v47 =	vor.u32 $0x1, v40;
	v40 =	vld.idx.msk [tilespmem:v40+s2+$0x0], $0xffff  }
0x77: {  	v48 =	vor.u32 $0x1, v41;
	v41 =	vld.idx.msk [tilespmem:v41+s2+$0x0], $0xffff  }
0x78: {  	v50 =	vor.u32 $0x1, v42;
	v42 =	vld.idx.msk [tilespmem:v42+s2+$0x0], $0xffff  }
0x79: {  	v51 =	vor.u32 $0x1, v43;
	v43 =	vld.idx.msk [tilespmem:v43+s2+$0x0], $0xffff  }
0x7a: {  	v63 =	vld.idx.msk [tilespmem:v44+s2+$0x0], $0xffff  }
0x7b: {  	v52 =	vor.u32 $0x1, v44;
	v53 =	vor.u32 $0x1, v45;
	v45 =	vld.idx.msk [tilespmem:v45+s2+$0x0], $0xffff  }
0x7c: {  	v46 =	vshll.u32 v46, $0x1;
	v47 =	vld.idx.msk [tilespmem:v47+s2+$0x0], $0xffff  }
0x7d: {  	v49 =	vshll.u32 v49, $0x1;
	v54 =	vor.u32 $0x1, v46;
	v48 =	vld.idx.msk [tilespmem:v48+s2+$0x0], $0xffff  }
0x7e: {  	v55 =	vor.u32 $0x1, v49;
	v50 =	vld.idx.msk [tilespmem:v50+s2+$0x0], $0xffff  }
0x7f: {  	v31 =	vadd.f32 v39, v31;
	v51 =	vld.idx.msk [tilespmem:v51+s2+$0x0], $0xffff  }
0x80: {  	v52 =	vld.idx.msk [tilespmem:v52+s2+$0x0], $0xffff  }
0x81: {  	v30 =	vadd.f32 v38, v30;
	v53 =	vld.idx.msk [tilespmem:v53+s2+$0x0], $0xffff;
	v31 =	vadd.f32 v41, v31  }
0x82: {  	v54 =	vld.idx.msk [tilespmem:v54+s2+$0x0], $0xffff;
	v26 =	vadd.f32 v48, v26  }
0x83: {  	v29 =	vadd.f32 v37, v29;
	v39 =	vld.idx.msk [tilespmem:v55+s2+$0x0], $0xffff;
	v30 =	vadd.f32 v42, v30;
	v31 =	vmul.f32 $1.999999960e-02, v31  }
0x84: {  	v28 =	vadd.f32 v35, v28;
	v48 =	vld.idx.msk [tilespmem:v46+s2+$0x0], $0xffff;
	v25 =	vadd.f32 v50, v25;
	v26 =	vmul.f32 $1.999999960e-02, v26  }
0x85: {  	v29 =	vadd.f32 v43, v29;
	v50 =	vld.idx.msk [tilespmem:v49+s2+$0x0], $0xffff;
	v30 =	vmul.f32 $1.999999960e-02, v30;
	[tilespmem:v0+s24+$0x0] =	vst.idx.msk $0xffff, v31  }
0x86: {  	v23 =	vadd.f32 v51, v23;
	v25 =	vmul.f32 $1.999999960e-02, v25;
	[tilespmem:v1+s24+$0x0] =	vst.idx.msk $0xffff, v26  }
0x87: {  	v55 =	vadd.f32 v63, v28;
	v51 =	vadd.f32 v36, v27;
	v56 =	vmul.f32 $1.999999960e-02, v29;
	[tilespmem:v2+s24+$0x0] =	vst.idx.msk $0xffff, v30  }
0x88: {  	v21 =	vadd.f32 v52, v21;
	v23 =	vmul.f32 $1.999999960e-02, v23;
	[tilespmem:v3+s24+$0x0] =	vst.idx.msk $0xffff, v25  }
0x89: {  	v24 =	vadd.f32 v32, v24;
	v58 =	vmul.f32 $1.999999960e-02, v55;
	v57 =	vadd.f32 v45, v51;
	[tilespmem:v4+s24+$0x0] =	vst.idx.msk $0xffff, v56  }
0x8a: {  	v20 =	vadd.f32 v53, v20;
	v21 =	vmul.f32 $1.999999960e-02, v21;
	[tilespmem:v5+s24+$0x0] =	vst.idx.msk $0xffff, v23  }
0x8b: {  	v22 =	vadd.f32 v33, v22;
	v60 =	vmul.f32 $1.999999960e-02, v57;
	v59 =	vadd.f32 v48, v24;
	[tilespmem:v6+s24+$0x0] =	vst.idx.msk $0xffff, v58  }
0x8c: {  	v18 =	vadd.f32 v34, v18;
	v19 =	vadd.f32 v54, v19;
	v20 =	vmul.f32 $1.999999960e-02, v20;
	[tilespmem:v7+s24+$0x0] =	vst.idx.msk $0xffff, v21  }
0x8d: {  	v61 =	vadd.f32 v50, v22;
	v62 =	vmul.f32 $1.999999960e-02, v59;
	[tilespmem:v8+s24+$0x0] =	vst.idx.msk $0xffff, v60  }
0x8e: {  	v18 =	vadd.f32 v39, v18;
	v19 =	vmul.f32 $1.999999960e-02, v19;
	[tilespmem:v9+s24+$0x0] =	vst.idx.msk $0xffff, v20  }
0x8f: {  	v17 =	vadd.f32 v40, v17;
	v63 =	vmul.f32 $1.999999960e-02, v61;
	[tilespmem:v10+s24+$0x0] =	vst.idx.msk $0xffff, v62  }
0x90: {  	v16 =	vadd.f32 v47, v16;
	v18 =	vmul.f32 $1.999999960e-02, v18;
	[tilespmem:v11+s24+$0x0] =	vst.idx.msk $0xffff, v19  }
0x91: {  	v17 =	vmul.f32 $1.999999960e-02, v17;
	[tilespmem:v12+s24+$0x0] =	vst.idx.msk $0xffff, v63  }
0x92: {  	s25 =	sadd.s32 $0x1, s25;
	v16 =	vmul.f32 $1.999999960e-02, v16;
	[tilespmem:v13+s24+$0x0] =	vst.idx.msk $0xffff, v18  }
0x93: {  	p0 =	sne.s32 s25, s21;
	[tilespmem:v14+s24+$0x0] =	vst.idx.msk $0xffff, v17  }
.Ltmp1:
0x94: {  	[tilespmem:v15+s24+$0x0] =	vst.idx.msk $0xffff, v16;
	(pc) =	sbr.rel @p0 .LBB2_1-.Ltmp1, $4  }
0x95: {  	[hbm4b:s20+s2] =	stream.linear.scatter [tilespmem:s24], [sflag:$0x1], $0x100, $0x38;
	[tilespmem:$0x10880] =	vst v63  }
0x96: {  	_ =	swait.ge [sflag:s22], $0x100  }
0x97: {  	[sflag:s22] =	ssyncset.done $0x0  }
0x98: {  	[sflag:s22] =	ssyncadd.s32 $0xFFFFFF00  }
0x99: {  	_ =	sfence.sel $0x180000  }
0x9a: {  	[bflag:$0x0] =	sbarrier.arrive $0xFFFF  }
0x9b: {  	p0 =	sne.s32 s1, $0x0;
	_ =	strace $0x90000047  }
0x9c: {  	s0 =	sadd.s32 @!p0 $0x100000, s0;
	[bflag:$0x2] =	sbarrier.arrive $0xFFFF  }
0x9d: {  	[sflag:s0] =	ssyncadd.tile.s32 @!p0 $0x1;
	_ =	shalt  }
.Lfunc_end2:
_tile_overlayer_lowered:
.L_overlay_start_2:
0x9e: {  	(tag) =	ssettag $0x2  }
0x9f: {  	s0 =	rddreg [dreg:$0x0];
	s2 =	stileid.u32  }
0xa0: {  	s1 =	rddreg [dreg:$0x1];
	p0 =	sne.s32 s2, $0x0  }
0xa1: {  	s3 =	rddreg [dreg:$0x2];
	[bflag:$0x3] =	sbarrier.arrive $0xFFFF;
	s2 =	simm.s32 @!p0 $0x1C01  }
0xa2: {  	[timem:s3], [sflag:s2] =	dma.local @!p0 [hbm:s0], s1  }
0xa3: {  	s0 =	simm.s32 @!p0 $0x1  }
0xa4: {  	_ =	swait.ge @!p0 [sflag:s0], s1  }
0xa5: {  	s1 =	ssub.s32 @!p0 $0x0, s1;
	[sflag:s0] =	ssyncset.done @!p0 $0x0  }
0xa6: {  	[sflag:s0] =	ssyncadd.s32 @!p0 s1  }
0xa7: {  	[bflag:$0x3] =	sbarrier.arrive $0xFFFF  }
0xa8: {  	_ =	shalt  }

</sc_bundles>
